<compile_context>
chip_gen: v7x
topology: tpu7x:2x2x1
jax: 0.10.2.dev20260603
libtpu: 0.0.44.dev20260713+nightly
codegen_flags: <defaults>
</compile_context>

<pallas_src>
import functools

import jax
import jax.numpy as jnp
from jax import lax
from jax.experimental import pallas as pl
from jax.experimental.pallas import tpu as pltpu

H = 32
HD = 128
SCALE = 1.0 / (HD ** 0.5)
NEG = -1e30


def _qkv_rope_body(x_ref, w_ref, c_ref, s_ref, o_ref, *, n_qk_blocks):
    j = pl.program_id(1)
    z = lax.dot_general(
        x_ref[...], w_ref[...], (((1,), (1,)), ((), ())),
        preferred_element_type=jnp.float32)
    bn = z.shape[1]

    @pl.when(j < n_qk_blocks)
    def _rope_store():
        c = c_ref[...]
        s = s_ref[...]
        pieces = []
        for h in range(bn // HD):
            zh = z[:, h * HD:(h + 1) * HD]
            zsw = jnp.concatenate(
                [zh[:, HD // 2:], zh[:, : HD // 2]], axis=1)
            pieces.append(zh * c + zsw * s)
        o_ref[...] = jnp.concatenate(pieces, axis=1).astype(o_ref.dtype)

    @pl.when(j >= n_qk_blocks)
    def _plain_store():
        o_ref[...] = z.astype(o_ref.dtype)


def _knorm_body(k_ref, o_ref):
    for h in range(H):
        zh = k_ref[:, h * HD:(h + 1) * HD].astype(jnp.float32)
        rs = jnp.sum(zh * zh, axis=1, keepdims=True)
        mx = jnp.sqrt(jnp.max(rs))
        o_ref[h, :, :] = jnp.broadcast_to(mx, (1, HD))


def _flash_body(q_ref, k_ref, v_ref, kn_ref, msk_ref, o_ref, acc_ref, m_ref,
                *, bq, bk):
    i = pl.program_id(1)
    j = pl.program_id(2)

    @pl.when(j == 0)
    def _init():
        q = q_ref[...].astype(jnp.float32)
        qn = jnp.sqrt(jnp.sum(q * q, axis=1, keepdims=True))
        kn = kn_ref[...][0, :, :1]
        m_ref[...] = jnp.broadcast_to(qn * kn, m_ref.shape)
        acc_ref[...] = jnp.zeros_like(acc_ref)

    def _step(masked):
        s = lax.dot_general(
            q_ref[...], k_ref[...], (((1,), (1,)), ((), ())),
            preferred_element_type=jnp.float32)
        p = jnp.exp(s - m_ref[...][:, :1]).astype(v_ref.dtype)
        if masked:
            p = p * msk_ref[...]
        ve = jnp.concatenate(
            [v_ref[...], jnp.ones((bk, HD), v_ref.dtype)], axis=1)
        pv = lax.dot_general(
            p, ve, (((1,), (0,)), ((), ())),
            preferred_element_type=jnp.float32)
        acc_ref[...] = acc_ref[...] + pv

    @pl.when(j < i)
    def _unmasked():
        _step(masked=False)

    @pl.when(j == i)
    def _masked():
        _step(masked=True)

    @pl.when(j == i)
    def _finalize():
        acc = acc_ref[...]
        o_ref[...] = (acc[:, :HD] / acc[:, HD:HD + 1]).astype(o_ref.dtype)


def _matmul_body(a_ref, w_ref, o_ref):
    o_ref[...] = lax.dot_general(
        a_ref[...], w_ref[...], (((1,), (1,)), ((), ())),
        preferred_element_type=jnp.float32)


def kernel(x, freqs_cis, input_pos, wqkv, wo):
    del input_pos
    b, seq, dim = x.shape
    assert dim == H * HD
    x2 = x.reshape(seq, dim).astype(jnp.bfloat16)

    perm = jnp.concatenate(
        [jnp.arange(0, HD, 2), jnp.arange(1, HD, 2)])
    qperm = (jnp.arange(H)[:, None] * HD + perm[None, :]).reshape(-1)
    row_perm = jnp.concatenate(
        [qperm, qperm + dim, jnp.arange(dim) + 2 * dim])
    row_scale = jnp.concatenate(
        [jnp.full((dim,), SCALE, jnp.float32), jnp.ones((2 * dim,), jnp.float32)])
    wqkv_p = (wqkv[row_perm] * row_scale[:, None]).astype(jnp.bfloat16)
    wo_b = wo.astype(jnp.bfloat16)

    cos = freqs_cis[..., 0]
    sin = freqs_cis[..., 1]
    c128 = jnp.concatenate([cos, cos], axis=-1)
    s128 = jnp.concatenate([-sin, sin], axis=-1)

    bm, bn = min(1024, seq), 1024
    n_qk_blocks = (2 * dim) // bn
    qkv = pl.pallas_call(
        functools.partial(_qkv_rope_body, n_qk_blocks=n_qk_blocks),
        grid=(seq // bm, (3 * dim) // bn),
        in_specs=[
            pl.BlockSpec((bm, dim), lambda i, j: (i, 0)),
            pl.BlockSpec((bn, dim), lambda i, j: (j, 0)),
            pl.BlockSpec((bm, HD), lambda i, j: (i, 0)),
            pl.BlockSpec((bm, HD), lambda i, j: (i, 0)),
        ],
        out_specs=pl.BlockSpec((bm, bn), lambda i, j: (i, j)),
        out_shape=jax.ShapeDtypeStruct((seq, 3 * dim), jnp.bfloat16),
        compiler_params=pltpu.CompilerParams(
            dimension_semantics=("parallel", "parallel")),
    )(x2, wqkv_p, c128, s128)

    knorm = pl.pallas_call(
        _knorm_body,
        grid=(1,),
        in_specs=[pl.BlockSpec((seq, dim), lambda g: (0, 1))],
        out_specs=pl.BlockSpec((H, 1, HD), lambda g: (0, 0, 0)),
        out_shape=jax.ShapeDtypeStruct((H, 1, HD), jnp.float32),
    )(qkv)

    bq = bk = min(1024, seq)
    nq, nk = seq // bq, seq // bk
    tril = (jnp.arange(bq)[:, None] >= jnp.arange(bk)[None, :]).astype(
        jnp.bfloat16)
    y = pl.pallas_call(
        functools.partial(_flash_body, bq=bq, bk=bk),
        grid=(H, nq, nk),
        in_specs=[
            pl.BlockSpec((bq, HD), lambda h, i, j: (i, h)),
            pl.BlockSpec((bk, HD), lambda h, i, j: (jnp.minimum(j, i), H + h)),
            pl.BlockSpec((bk, HD), lambda h, i, j: (jnp.minimum(j, i), 2 * H + h)),
            pl.BlockSpec((1, 1, HD), lambda h, i, j: (h, 0, 0)),
            pl.BlockSpec((bq, bk), lambda h, i, j: (0, 0)),
        ],
        out_specs=pl.BlockSpec((bq, HD), lambda h, i, j: (i, h)),
        out_shape=jax.ShapeDtypeStruct((seq, dim), jnp.bfloat16),
        scratch_shapes=[
            pltpu.VMEM((bq, 2 * HD), jnp.float32),
            pltpu.VMEM((bq, 128), jnp.float32),
        ],
        compiler_params=pltpu.CompilerParams(
            dimension_semantics=("parallel", "parallel", "arbitrary")),
    )(qkv, qkv, qkv, knorm, tril)

    bm2, bn2 = min(1024, seq), 1024
    out = pl.pallas_call(
        _matmul_body,
        grid=(seq // bm2, dim // bn2),
        in_specs=[
            pl.BlockSpec((bm2, dim), lambda i, j: (i, 0)),
            pl.BlockSpec((bn2, dim), lambda i, j: (j, 0)),
        ],
        out_specs=pl.BlockSpec((bm2, bn2), lambda i, j: (i, j)),
        out_shape=jax.ShapeDtypeStruct((seq, dim), jnp.float32),
        compiler_params=pltpu.CompilerParams(
            dimension_semantics=("parallel", "parallel")),
    )(y, wo_b)

    return out.reshape(b, seq, dim)

# --- scband reference (transcript-rebuilt; emitter-appended) ---
"""Pipeline reference for scband-attention-39402029973930 (READ-ONLY COPY).

The authoritative reference and input builder live on the scoring server;
editing this copy changes nothing except your own understanding.
"""

import jax, jax.numpy as jnp
import numpy as np

B = 1
S = 2048
DIM = 4096
H = 32
HD = 128
ROPE_BASE = 40000.0


def _apply_rotary_emb(x, freqs_cis):
    # x: [B, S, H, HD]; freqs_cis: [S, HD//2, 2] with (cos, sin)
    xs = x.reshape(x.shape[0], x.shape[1], x.shape[2], HD // 2, 2)
    fc = freqs_cis.reshape(1, x.shape[1], 1, HD // 2, 2)
    xr = xs[..., 0]
    xi = xs[..., 1]
    cr = fc[..., 0]
    ci = fc[..., 1]
    out = jnp.stack([xr * cr - xi * ci, xi * cr + xr * ci], axis=-1)
    return out.reshape(x.shape)


def setup_inputs(seed: int = 0) -> dict:
    key = jax.random.key(seed)
    k0, k1, k2 = jax.random.split(key, 3)
    x = jax.random.normal(k0, (B, S, DIM), dtype=jnp.float32)
    # RoPE table (deterministic, matches precompute_freqs_cis with base=40000)
    inv_freq = 1.0 / (ROPE_BASE ** (jnp.arange(0, HD, 2, dtype=jnp.float32) / HD))
    t = jnp.arange(S, dtype=jnp.float32)
    f = jnp.outer(t, inv_freq)  # [S, HD//2]
    freqs_cis = jnp.stack([jnp.cos(f), jnp.sin(f)], axis=-1)  # [S, HD//2, 2]
    input_pos = jnp.arange(S, dtype=jnp.int32)
    # Learned parameters (fused QKV and output projection), n_local_heads == n_head
    wqkv = jax.random.normal(k1, (3 * DIM, DIM), dtype=jnp.float32) * 0.02
    wo = jax.random.normal(k2, (DIM, DIM), dtype=jnp.float32) * 0.02
    return {"x": x, "freqs_cis": freqs_cis, "input_pos": input_pos, "wqkv": wqkv, "wo": wo}


def reference(x, freqs_cis, input_pos, wqkv, wo):
    # Fused QKV projection
    qkv = x @ wqkv.T  # [B, S, 3*DIM]
    q, k, v = jnp.split(qkv, [DIM, 2 * DIM], axis=-1)
    q = q.reshape(B, S, H, HD)
    k = k.reshape(B, S, H, HD)
    v = v.reshape(B, S, H, HD)
    # Rotary embeddings on q and k
    q = _apply_rotary_emb(q, freqs_cis)
    k = _apply_rotary_emb(k, freqs_cis)
    # [B, H, S, HD]
    q = jnp.transpose(q, (0, 2, 1, 3))
    k = jnp.transpose(k, (0, 2, 1, 3))
    v = jnp.transpose(v, (0, 2, 1, 3))
    scale = 1.0 / jnp.sqrt(jnp.asarray(HD, dtype=jnp.float32))
    scores = jnp.einsum("bhqd,bhkd->bhqk", q, k) * scale
    # Causal mask built from input_pos (prefill path: all KV blocks visible causally)
    causal = input_pos[:, None] >= input_pos[None, :]  # [S, S]
    scores = jnp.where(causal[None, None, :, :], scores, jnp.float32(-1e9))
    attn = jax.nn.softmax(scores, axis=-1)
    y = jnp.einsum("bhqk,bhkd->bhqd", attn, v)  # [B, H, S, HD]
    y = jnp.transpose(y, (0, 2, 1, 3)).reshape(B, S, DIM)
    out = y @ wo.T
    return out

if __name__ == "__main__":
    import jax
    _d = setup_inputs()
    print(jax.jit(kernel)(*tuple(_d.values())))

</pallas_src>

<mosaic_0001>
module attributes {stable_mosaic.version = 14 : i64} {
  func.func @_qkv_rope_body(%arg0: i32, %arg1: i32, %arg2: memref<1024x4096xbf16, #tpu.memory_space<vmem>>, %arg3: memref<1024x4096xbf16, #tpu.memory_space<vmem>>, %arg4: memref<1024x128xf32, #tpu.memory_space<vmem>>, %arg5: memref<1024x128xf32, #tpu.memory_space<vmem>>, %arg6: memref<1024x1024xbf16, #tpu.memory_space<vmem>>) attributes {dimension_semantics = [#tpu.dimension_semantics<parallel>, #tpu.dimension_semantics<parallel>], iteration_bounds = array<i64: 2, 12>, scalar_prefetch = 0 : i64, scratch_operands = 0 : i64, tpu.core_type = #tpu.core_type<tc>, window_params = [{transform_indices = @transform_0, window_bounds = array<i64: 1024, 4096>}, {transform_indices = @transform_1, window_bounds = array<i64: 1024, 4096>}, {transform_indices = @transform_2, window_bounds = array<i64: 1024, 128>}, {transform_indices = @transform_3, window_bounds = array<i64: 1024, 128>}, {transform_indices = @transform_4, window_bounds = array<i64: 1024, 1024>}]} {
    %get3A = arith.constant 0 : index
    %get3A_0 = arith.constant 0 : index
    %get3A_1 = vector.load %arg2[%get3A, %get3A_0] : memref<1024x4096xbf16, #tpu.memory_space<vmem>>, vector<1024x4096xbf16>
    %get3A_2 = arith.constant 0 : index
    %get3A_3 = arith.constant 0 : index
    %get3A_4 = vector.load %arg3[%get3A_2, %get3A_3] : memref<1024x4096xbf16, #tpu.memory_space<vmem>>, vector<1024x4096xbf16>
    %dot_general3A = arith.constant dense<0.000000e+00> : vector<1024x1024xf32>
    %dot_general3A_5 = tpu.matmul %get3A_1, %get3A_4, %dot_general3A {dimension_numbers = #tpu.dot_dimension_numbers<[1], [1], [0], [0], [0, 0, 1, 0], [], []>, transpose_lhs_hint = false} : vector<1024x4096xbf16>, vector<1024x4096xbf16>, vector<1024x1024xf32> -> vector<1024x1024xf32>
    %lt3A = arith.constant 8 : i32
    %lt3A_6 = arith.cmpi slt, %arg1, %lt3A : i32
    %convert_element_type3A = arith.extui %lt3A_6 : i1 to i32
    %cond3A = arith.constant 0 : i32
    %cond3A_7 = arith.cmpi ne, %convert_element_type3A, %cond3A : i32
    scf.if %cond3A_7 {
      %get3A_12 = arith.constant 0 : index
      %get3A_13 = arith.constant 0 : index
      %get3A_14 = vector.load %arg4[%get3A_12, %get3A_13] : memref<1024x128xf32, #tpu.memory_space<vmem>>, vector<1024x128xf32>
      %get3A_15 = arith.constant 0 : index
      %get3A_16 = arith.constant 0 : index
      %get3A_17 = vector.load %arg5[%get3A_15, %get3A_16] : memref<1024x128xf32, #tpu.memory_space<vmem>>, vector<1024x128xf32>
      %slice3A = vector.extract_strided_slice %dot_general3A_5 {offsets = [0, 0], sizes = [1024, 128], strides = [1, 1]} : vector<1024x1024xf32> to vector<1024x128xf32>
      %slice3A_18 = vector.extract_strided_slice %slice3A {offsets = [0, 64], sizes = [1024, 64], strides = [1, 1]} : vector<1024x128xf32> to vector<1024x64xf32>
      %slice3A_19 = vector.extract_strided_slice %slice3A {offsets = [0, 0], sizes = [1024, 64], strides = [1, 1]} : vector<1024x128xf32> to vector<1024x64xf32>
      %concatenate3A = tpu.concatenate %slice3A_18, %slice3A_19 in 1 : vector<1024x64xf32>, vector<1024x64xf32> -> vector<1024x128xf32>
      %mul3A = arith.mulf %slice3A, %get3A_14 : vector<1024x128xf32>
      %mul3A_20 = arith.mulf %concatenate3A, %get3A_17 : vector<1024x128xf32>
      %add3A = arith.addf %mul3A, %mul3A_20 : vector<1024x128xf32>
      %slice3A_21 = vector.extract_strided_slice %dot_general3A_5 {offsets = [0, 128], sizes = [1024, 128], strides = [1, 1]} : vector<1024x1024xf32> to vector<1024x128xf32>
      %slice3A_22 = vector.extract_strided_slice %slice3A_21 {offsets = [0, 64], sizes = [1024, 64], strides = [1, 1]} : vector<1024x128xf32> to vector<1024x64xf32>
      %slice3A_23 = vector.extract_strided_slice %slice3A_21 {offsets = [0, 0], sizes = [1024, 64], strides = [1, 1]} : vector<1024x128xf32> to vector<1024x64xf32>
      %concatenate3A_24 = tpu.concatenate %slice3A_22, %slice3A_23 in 1 : vector<1024x64xf32>, vector<1024x64xf32> -> vector<1024x128xf32>
      %mul3A_25 = arith.mulf %slice3A_21, %get3A_14 : vector<1024x128xf32>
      %mul3A_26 = arith.mulf %concatenate3A_24, %get3A_17 : vector<1024x128xf32>
      %add3A_27 = arith.addf %mul3A_25, %mul3A_26 : vector<1024x128xf32>
      %slice3A_28 = vector.extract_strided_slice %dot_general3A_5 {offsets = [0, 256], sizes = [1024, 128], strides = [1, 1]} : vector<1024x1024xf32> to vector<1024x128xf32>
      %slice3A_29 = vector.extract_strided_slice %slice3A_28 {offsets = [0, 64], sizes = [1024, 64], strides = [1, 1]} : vector<1024x128xf32> to vector<1024x64xf32>
      %slice3A_30 = vector.extract_strided_slice %slice3A_28 {offsets = [0, 0], sizes = [1024, 64], strides = [1, 1]} : vector<1024x128xf32> to vector<1024x64xf32>
      %concatenate3A_31 = tpu.concatenate %slice3A_29, %slice3A_30 in 1 : vector<1024x64xf32>, vector<1024x64xf32> -> vector<1024x128xf32>
      %mul3A_32 = arith.mulf %slice3A_28, %get3A_14 : vector<1024x128xf32>
      %mul3A_33 = arith.mulf %concatenate3A_31, %get3A_17 : vector<1024x128xf32>
      %add3A_34 = arith.addf %mul3A_32, %mul3A_33 : vector<1024x128xf32>
      %slice3A_35 = vector.extract_strided_slice %dot_general3A_5 {offsets = [0, 384], sizes = [1024, 128], strides = [1, 1]} : vector<1024x1024xf32> to vector<1024x128xf32>
      %slice3A_36 = vector.extract_strided_slice %slice3A_35 {offsets = [0, 64], sizes = [1024, 64], strides = [1, 1]} : vector<1024x128xf32> to vector<1024x64xf32>
      %slice3A_37 = vector.extract_strided_slice %slice3A_35 {offsets = [0, 0], sizes = [1024, 64], strides = [1, 1]} : vector<1024x128xf32> to vector<1024x64xf32>
      %concatenate3A_38 = tpu.concatenate %slice3A_36, %slice3A_37 in 1 : vector<1024x64xf32>, vector<1024x64xf32> -> vector<1024x128xf32>
      %mul3A_39 = arith.mulf %slice3A_35, %get3A_14 : vector<1024x128xf32>
      %mul3A_40 = arith.mulf %concatenate3A_38, %get3A_17 : vector<1024x128xf32>
      %add3A_41 = arith.addf %mul3A_39, %mul3A_40 : vector<1024x128xf32>
      %slice3A_42 = vector.extract_strided_slice %dot_general3A_5 {offsets = [0, 512], sizes = [1024, 128], strides = [1, 1]} : vector<1024x1024xf32> to vector<1024x128xf32>
      %slice3A_43 = vector.extract_strided_slice %slice3A_42 {offsets = [0, 64], sizes = [1024, 64], strides = [1, 1]} : vector<1024x128xf32> to vector<1024x64xf32>
      %slice3A_44 = vector.extract_strided_slice %slice3A_42 {offsets = [0, 0], sizes = [1024, 64], strides = [1, 1]} : vector<1024x128xf32> to vector<1024x64xf32>
      %concatenate3A_45 = tpu.concatenate %slice3A_43, %slice3A_44 in 1 : vector<1024x64xf32>, vector<1024x64xf32> -> vector<1024x128xf32>
      %mul3A_46 = arith.mulf %slice3A_42, %get3A_14 : vector<1024x128xf32>
      %mul3A_47 = arith.mulf %concatenate3A_45, %get3A_17 : vector<1024x128xf32>
      %add3A_48 = arith.addf %mul3A_46, %mul3A_47 : vector<1024x128xf32>
      %slice3A_49 = vector.extract_strided_slice %dot_general3A_5 {offsets = [0, 640], sizes = [1024, 128], strides = [1, 1]} : vector<1024x1024xf32> to vector<1024x128xf32>
      %slice3A_50 = vector.extract_strided_slice %slice3A_49 {offsets = [0, 64], sizes = [1024, 64], strides = [1, 1]} : vector<1024x128xf32> to vector<1024x64xf32>
      %slice3A_51 = vector.extract_strided_slice %slice3A_49 {offsets = [0, 0], sizes = [1024, 64], strides = [1, 1]} : vector<1024x128xf32> to vector<1024x64xf32>
      %concatenate3A_52 = tpu.concatenate %slice3A_50, %slice3A_51 in 1 : vector<1024x64xf32>, vector<1024x64xf32> -> vector<1024x128xf32>
      %mul3A_53 = arith.mulf %slice3A_49, %get3A_14 : vector<1024x128xf32>
      %mul3A_54 = arith.mulf %concatenate3A_52, %get3A_17 : vector<1024x128xf32>
      %add3A_55 = arith.addf %mul3A_53, %mul3A_54 : vector<1024x128xf32>
      %slice3A_56 = vector.extract_strided_slice %dot_general3A_5 {offsets = [0, 768], sizes = [1024, 128], strides = [1, 1]} : vector<1024x1024xf32> to vector<1024x128xf32>
      %slice3A_57 = vector.extract_strided_slice %slice3A_56 {offsets = [0, 64], sizes = [1024, 64], strides = [1, 1]} : vector<1024x128xf32> to vector<1024x64xf32>
      %slice3A_58 = vector.extract_strided_slice %slice3A_56 {offsets = [0, 0], sizes = [1024, 64], strides = [1, 1]} : vector<1024x128xf32> to vector<1024x64xf32>
      %concatenate3A_59 = tpu.concatenate %slice3A_57, %slice3A_58 in 1 : vector<1024x64xf32>, vector<1024x64xf32> -> vector<1024x128xf32>
      %mul3A_60 = arith.mulf %slice3A_56, %get3A_14 : vector<1024x128xf32>
      %mul3A_61 = arith.mulf %concatenate3A_59, %get3A_17 : vector<1024x128xf32>
      %add3A_62 = arith.addf %mul3A_60, %mul3A_61 : vector<1024x128xf32>
      %slice3A_63 = vector.extract_strided_slice %dot_general3A_5 {offsets = [0, 896], sizes = [1024, 128], strides = [1, 1]} : vector<1024x1024xf32> to vector<1024x128xf32>
      %slice3A_64 = vector.extract_strided_slice %slice3A_63 {offsets = [0, 64], sizes = [1024, 64], strides = [1, 1]} : vector<1024x128xf32> to vector<1024x64xf32>
      %slice3A_65 = vector.extract_strided_slice %slice3A_63 {offsets = [0, 0], sizes = [1024, 64], strides = [1, 1]} : vector<1024x128xf32> to vector<1024x64xf32>
      %concatenate3A_66 = tpu.concatenate %slice3A_64, %slice3A_65 in 1 : vector<1024x64xf32>, vector<1024x64xf32> -> vector<1024x128xf32>
      %mul3A_67 = arith.mulf %slice3A_63, %get3A_14 : vector<1024x128xf32>
      %mul3A_68 = arith.mulf %concatenate3A_66, %get3A_17 : vector<1024x128xf32>
      %add3A_69 = arith.addf %mul3A_67, %mul3A_68 : vector<1024x128xf32>
      %concatenate3A_70 = tpu.concatenate %add3A, %add3A_27, %add3A_34, %add3A_41, %add3A_48, %add3A_55, %add3A_62, %add3A_69 in 1 : vector<1024x128xf32>, vector<1024x128xf32>, vector<1024x128xf32>, vector<1024x128xf32>, vector<1024x128xf32>, vector<1024x128xf32>, vector<1024x128xf32>, vector<1024x128xf32> -> vector<1024x1024xf32>
      %convert_element_type3A_71 = arith.truncf %concatenate3A_70 : vector<1024x1024xf32> to vector<1024x1024xbf16>
      %swap3A = arith.constant 0 : index
      %swap3A_72 = arith.constant 0 : index
      %swap3A_73 = vector.load %arg6[%swap3A, %swap3A_72] : memref<1024x1024xbf16, #tpu.memory_space<vmem>>, vector<1024x1024xbf16>
      tpu.vector_store %arg6[%swap3A, %swap3A_72], %convert_element_type3A_71 {strides = array<i32>} : memref<1024x1024xbf16, #tpu.memory_space<vmem>>, vector<1024x1024xbf16>,
    } else {
    }
    %ge3A = arith.constant 8 : i32
    %ge3A_8 = arith.cmpi sge, %arg1, %ge3A : i32
    %convert_element_type3A_9 = arith.extui %ge3A_8 : i1 to i32
    %cond3A_10 = arith.constant 0 : i32
    %cond3A_11 = arith.cmpi ne, %convert_element_type3A_9, %cond3A_10 : i32
    scf.if %cond3A_11 {
      %convert_element_type3A_12 = arith.truncf %dot_general3A_5 : vector<1024x1024xf32> to vector<1024x1024xbf16>
      %swap3A = arith.constant 0 : index
      %swap3A_13 = arith.constant 0 : index
      %swap3A_14 = vector.load %arg6[%swap3A, %swap3A_13] : memref<1024x1024xbf16, #tpu.memory_space<vmem>>, vector<1024x1024xbf16>
      tpu.vector_store %arg6[%swap3A, %swap3A_13], %convert_element_type3A_12 {strides = array<i32>} : memref<1024x1024xbf16, #tpu.memory_space<vmem>>, vector<1024x1024xbf16>,
    } else {
    }
    return
  }
  func.func @transform_0(%arg0: i32, %arg1: i32) -> (i32, i32) {
    %c0_i32 = arith.constant 0 : i32
    %c0_i32_0 = arith.constant 0 : i32
    return %arg0, %c0_i32 : i32, i32
  }
  func.func @transform_1(%arg0: i32, %arg1: i32) -> (i32, i32) {
    %c0_i32 = arith.constant 0 : i32
    %c0_i32_0 = arith.constant 0 : i32
    return %arg1, %c0_i32 : i32, i32
  }
  func.func @transform_2(%arg0: i32, %arg1: i32) -> (i32, i32) {
    %c0_i32 = arith.constant 0 : i32
    %c0_i32_0 = arith.constant 0 : i32
    return %arg0, %c0_i32 : i32, i32
  }
  func.func @transform_3(%arg0: i32, %arg1: i32) -> (i32, i32) {
    %c0_i32 = arith.constant 0 : i32
    %c0_i32_0 = arith.constant 0 : i32
    return %arg0, %c0_i32 : i32, i32
  }
  func.func @transform_4(%arg0: i32, %arg1: i32) -> (i32, i32) {
    %c0_i32 = arith.constant 0 : i32
    return %arg0, %arg1 : i32, i32
  }
}

module attributes {stable_mosaic.version = 14 : i64} {
  func.func @_knorm_body(%arg0: i32, %arg1: memref<2048x4096xbf16, #tpu.memory_space<vmem>>, %arg2: memref<32x1x128xf32, #tpu.memory_space<vmem>>) attributes {dimension_semantics = [#tpu.dimension_semantics<arbitrary>], iteration_bounds = array<i64: 1>, scalar_prefetch = 0 : i64, scratch_operands = 0 : i64, tpu.core_type = #tpu.core_type<tc>, window_params = [{transform_indices = @transform_0, window_bounds = array<i64: 2048, 4096>}, {pipeline_mode = #tpu.pipeline_mode<synchronous>, transform_indices = @transform_1, window_bounds = array<i64: 32, 1, 128>}]} {
    %get3A = arith.constant 0 : index
    %get3A_0 = arith.constant 0 : index
    %get3A_1 = vector.load %arg1[%get3A, %get3A_0] : memref<2048x4096xbf16, #tpu.memory_space<vmem>>, vector<2048x128xbf16>
    %convert_element_type3A = arith.extf %get3A_1 : vector<2048x128xbf16> to vector<2048x128xf32>
    %mul3A = arith.mulf %convert_element_type3A, %convert_element_type3A : vector<2048x128xf32>
    %reduce_sum3A = arith.constant dense<0.000000e+00> : vector<2048xf32>
    %reduce_sum3A_2 = vector.multi_reduction <add>, %mul3A, %reduce_sum3A [1] : vector<2048x128xf32> to vector<2048xf32>
    %broadcast_in_dim3A = vector.shape_cast %reduce_sum3A_2 : vector<2048xf32> to vector<2048x1xf32>
    %reduce_max3A = vector.shape_cast %broadcast_in_dim3A : vector<2048x1xf32> to vector<1x2048x1xf32>
    %reduce_max3A_3 = arith.constant dense<0xFF800000> : vector<1xf32>
    %reduce_max3A_4 = vector.multi_reduction <maximumf>, %reduce_max3A, %reduce_max3A_3 [1, 2] : vector<1x2048x1xf32> to vector<1xf32>
    %reduce_max3A_5 = vector.shape_cast %reduce_max3A_4 : vector<1xf32> to vector<1x1x1xf32>
    %reduce_max3A_6 = vector.extract %reduce_max3A_5[0, 0, 0] : f32 from vector<1x1x1xf32>
    %sqrt3A = math.sqrt %reduce_max3A_6 : f32
    %broadcast_in_dim3A_7 = vector.broadcast %sqrt3A : f32 to vector<1x128xf32>
    %swap3A = arith.constant 0 : index
    %swap3A_8 = arith.constant 0 : index
    %swap3A_9 = arith.constant 0 : index
    %swap3A_10 = vector.load %arg2[%swap3A, %swap3A_8, %swap3A_9] : memref<32x1x128xf32, #tpu.memory_space<vmem>>, vector<1x1x128xf32>
    %swap3A_11 = vector.shape_cast %swap3A_10 : vector<1x1x128xf32> to vector<1x128xf32>
    %swap3A_12 = vector.shape_cast %broadcast_in_dim3A_7 : vector<1x128xf32> to vector<1x1x128xf32>
    tpu.vector_store %arg2[%swap3A, %swap3A_8, %swap3A_9], %swap3A_12 {strides = array<i32>} : memref<32x1x128xf32, #tpu.memory_space<vmem>>, vector<1x1x128xf32>,
    %get3A_13 = arith.constant 0 : index
    %get3A_14 = arith.constant 128 : index
    %get3A_15 = vector.load %arg1[%get3A_13, %get3A_14] : memref<2048x4096xbf16, #tpu.memory_space<vmem>>, vector<2048x128xbf16>
    %convert_element_type3A_16 = arith.extf %get3A_15 : vector<2048x128xbf16> to vector<2048x128xf32>
    %mul3A_17 = arith.mulf %convert_element_type3A_16, %convert_element_type3A_16 : vector<2048x128xf32>
    %reduce_sum3A_18 = arith.constant dense<0.000000e+00> : vector<2048xf32>
    %reduce_sum3A_19 = vector.multi_reduction <add>, %mul3A_17, %reduce_sum3A_18 [1] : vector<2048x128xf32> to vector<2048xf32>
    %broadcast_in_dim3A_20 = vector.shape_cast %reduce_sum3A_19 : vector<2048xf32> to vector<2048x1xf32>
    %reduce_max3A_21 = vector.shape_cast %broadcast_in_dim3A_20 : vector<2048x1xf32> to vector<1x2048x1xf32>
    %reduce_max3A_22 = arith.constant dense<0xFF800000> : vector<1xf32>
    %reduce_max3A_23 = vector.multi_reduction <maximumf>, %reduce_max3A_21, %reduce_max3A_22 [1, 2] : vector<1x2048x1xf32> to vector<1xf32>
    %reduce_max3A_24 = vector.shape_cast %reduce_max3A_23 : vector<1xf32> to vector<1x1x1xf32>
    %reduce_max3A_25 = vector.extract %reduce_max3A_24[0, 0, 0] : f32 from vector<1x1x1xf32>
    %sqrt3A_26 = math.sqrt %reduce_max3A_25 : f32
    %broadcast_in_dim3A_27 = vector.broadcast %sqrt3A_26 : f32 to vector<1x128xf32>
    %swap3A_28 = arith.constant 1 : index
    %swap3A_29 = arith.constant 0 : index
    %swap3A_30 = arith.constant 0 : index
    %swap3A_31 = vector.load %arg2[%swap3A_28, %swap3A_29, %swap3A_30] : memref<32x1x128xf32, #tpu.memory_space<vmem>>, vector<1x1x128xf32>
    %swap3A_32 = vector.shape_cast %swap3A_31 : vector<1x1x128xf32> to vector<1x128xf32>
    %swap3A_33 = vector.shape_cast %broadcast_in_dim3A_27 : vector<1x128xf32> to vector<1x1x128xf32>
    tpu.vector_store %arg2[%swap3A_28, %swap3A_29, %swap3A_30], %swap3A_33 {strides = array<i32>} : memref<32x1x128xf32, #tpu.memory_space<vmem>>, vector<1x1x128xf32>,
    %get3A_34 = arith.constant 0 : index
    %get3A_35 = arith.constant 256 : index
    %get3A_36 = vector.load %arg1[%get3A_34, %get3A_35] : memref<2048x4096xbf16, #tpu.memory_space<vmem>>, vector<2048x128xbf16>
    %convert_element_type3A_37 = arith.extf %get3A_36 : vector<2048x128xbf16> to vector<2048x128xf32>
    %mul3A_38 = arith.mulf %convert_element_type3A_37, %convert_element_type3A_37 : vector<2048x128xf32>
    %reduce_sum3A_39 = arith.constant dense<0.000000e+00> : vector<2048xf32>
    %reduce_sum3A_40 = vector.multi_reduction <add>, %mul3A_38, %reduce_sum3A_39 [1] : vector<2048x128xf32> to vector<2048xf32>
    %broadcast_in_dim3A_41 = vector.shape_cast %reduce_sum3A_40 : vector<2048xf32> to vector<2048x1xf32>
    %reduce_max3A_42 = vector.shape_cast %broadcast_in_dim3A_41 : vector<2048x1xf32> to vector<1x2048x1xf32>
    %reduce_max3A_43 = arith.constant dense<0xFF800000> : vector<1xf32>
    %reduce_max3A_44 = vector.multi_reduction <maximumf>, %reduce_max3A_42, %reduce_max3A_43 [1, 2] : vector<1x2048x1xf32> to vector<1xf32>
    %reduce_max3A_45 = vector.shape_cast %reduce_max3A_44 : vector<1xf32> to vector<1x1x1xf32>
    %reduce_max3A_46 = vector.extract %reduce_max3A_45[0, 0, 0] : f32 from vector<1x1x1xf32>
    %sqrt3A_47 = math.sqrt %reduce_max3A_46 : f32
    %broadcast_in_dim3A_48 = vector.broadcast %sqrt3A_47 : f32 to vector<1x128xf32>
    %swap3A_49 = arith.constant 2 : index
    %swap3A_50 = arith.constant 0 : index
    %swap3A_51 = arith.constant 0 : index
    %swap3A_52 = vector.load %arg2[%swap3A_49, %swap3A_50, %swap3A_51] : memref<32x1x128xf32, #tpu.memory_space<vmem>>, vector<1x1x128xf32>
    %swap3A_53 = vector.shape_cast %swap3A_52 : vector<1x1x128xf32> to vector<1x128xf32>
    %swap3A_54 = vector.shape_cast %broadcast_in_dim3A_48 : vector<1x128xf32> to vector<1x1x128xf32>
    tpu.vector_store %arg2[%swap3A_49, %swap3A_50, %swap3A_51], %swap3A_54 {strides = array<i32>} : memref<32x1x128xf32, #tpu.memory_space<vmem>>, vector<1x1x128xf32>,
    %get3A_55 = arith.constant 0 : index
    %get3A_56 = arith.constant 384 : index
    %get3A_57 = vector.load %arg1[%get3A_55, %get3A_56] : memref<2048x4096xbf16, #tpu.memory_space<vmem>>, vector<2048x128xbf16>
    %convert_element_type3A_58 = arith.extf %get3A_57 : vector<2048x128xbf16> to vector<2048x128xf32>
    %mul3A_59 = arith.mulf %convert_element_type3A_58, %convert_element_type3A_58 : vector<2048x128xf32>
    %reduce_sum3A_60 = arith.constant dense<0.000000e+00> : vector<2048xf32>
    %reduce_sum3A_61 = vector.multi_reduction <add>, %mul3A_59, %reduce_sum3A_60 [1] : vector<2048x128xf32> to vector<2048xf32>
    %broadcast_in_dim3A_62 = vector.shape_cast %reduce_sum3A_61 : vector<2048xf32> to vector<2048x1xf32>
    %reduce_max3A_63 = vector.shape_cast %broadcast_in_dim3A_62 : vector<2048x1xf32> to vector<1x2048x1xf32>
    %reduce_max3A_64 = arith.constant dense<0xFF800000> : vector<1xf32>
    %reduce_max3A_65 = vector.multi_reduction <maximumf>, %reduce_max3A_63, %reduce_max3A_64 [1, 2] : vector<1x2048x1xf32> to vector<1xf32>
    %reduce_max3A_66 = vector.shape_cast %reduce_max3A_65 : vector<1xf32> to vector<1x1x1xf32>
    %reduce_max3A_67 = vector.extract %reduce_max3A_66[0, 0, 0] : f32 from vector<1x1x1xf32>
    %sqrt3A_68 = math.sqrt %reduce_max3A_67 : f32
    %broadcast_in_dim3A_69 = vector.broadcast %sqrt3A_68 : f32 to vector<1x128xf32>
    %swap3A_70 = arith.constant 3 : index
    %swap3A_71 = arith.constant 0 : index
    %swap3A_72 = arith.constant 0 : index
    %swap3A_73 = vector.load %arg2[%swap3A_70, %swap3A_71, %swap3A_72] : memref<32x1x128xf32, #tpu.memory_space<vmem>>, vector<1x1x128xf32>
    %swap3A_74 = vector.shape_cast %swap3A_73 : vector<1x1x128xf32> to vector<1x128xf32>
    %swap3A_75 = vector.shape_cast %broadcast_in_dim3A_69 : vector<1x128xf32> to vector<1x1x128xf32>
    tpu.vector_store %arg2[%swap3A_70, %swap3A_71, %swap3A_72], %swap3A_75 {strides = array<i32>} : memref<32x1x128xf32, #tpu.memory_space<vmem>>, vector<1x1x128xf32>,
    %get3A_76 = arith.constant 0 : index
    %get3A_77 = arith.constant 512 : index
    %get3A_78 = vector.load %arg1[%get3A_76, %get3A_77] : memref<2048x4096xbf16, #tpu.memory_space<vmem>>, vector<2048x128xbf16>
    %convert_element_type3A_79 = arith.extf %get3A_78 : vector<2048x128xbf16> to vector<2048x128xf32>
    %mul3A_80 = arith.mulf %convert_element_type3A_79, %convert_element_type3A_79 : vector<2048x128xf32>
    %reduce_sum3A_81 = arith.constant dense<0.000000e+00> : vector<2048xf32>
    %reduce_sum3A_82 = vector.multi_reduction <add>, %mul3A_80, %reduce_sum3A_81 [1] : vector<2048x128xf32> to vector<2048xf32>
    %broadcast_in_dim3A_83 = vector.shape_cast %reduce_sum3A_82 : vector<2048xf32> to vector<2048x1xf32>
    %reduce_max3A_84 = vector.shape_cast %broadcast_in_dim3A_83 : vector<2048x1xf32> to vector<1x2048x1xf32>
    %reduce_max3A_85 = arith.constant dense<0xFF800000> : vector<1xf32>
    %reduce_max3A_86 = vector.multi_reduction <maximumf>, %reduce_max3A_84, %reduce_max3A_85 [1, 2] : vector<1x2048x1xf32> to vector<1xf32>
    %reduce_max3A_87 = vector.shape_cast %reduce_max3A_86 : vector<1xf32> to vector<1x1x1xf32>
    %reduce_max3A_88 = vector.extract %reduce_max3A_87[0, 0, 0] : f32 from vector<1x1x1xf32>
    %sqrt3A_89 = math.sqrt %reduce_max3A_88 : f32
    %broadcast_in_dim3A_90 = vector.broadcast %sqrt3A_89 : f32 to vector<1x128xf32>
    %swap3A_91 = arith.constant 4 : index
    %swap3A_92 = arith.constant 0 : index
    %swap3A_93 = arith.constant 0 : index
    %swap3A_94 = vector.load %arg2[%swap3A_91, %swap3A_92, %swap3A_93] : memref<32x1x128xf32, #tpu.memory_space<vmem>>, vector<1x1x128xf32>
    %swap3A_95 = vector.shape_cast %swap3A_94 : vector<1x1x128xf32> to vector<1x128xf32>
    %swap3A_96 = vector.shape_cast %broadcast_in_dim3A_90 : vector<1x128xf32> to vector<1x1x128xf32>
    tpu.vector_store %arg2[%swap3A_91, %swap3A_92, %swap3A_93], %swap3A_96 {strides = array<i32>} : memref<32x1x128xf32, #tpu.memory_space<vmem>>, vector<1x1x128xf32>,
    %get3A_97 = arith.constant 0 : index
    %get3A_98 = arith.constant 640 : index
    %get3A_99 = vector.load %arg1[%get3A_97, %get3A_98] : memref<2048x4096xbf16, #tpu.memory_space<vmem>>, vector<2048x128xbf16>
    %convert_element_type3A_100 = arith.extf %get3A_99 : vector<2048x128xbf16> to vector<2048x128xf32>
    %mul3A_101 = arith.mulf %convert_element_type3A_100, %convert_element_type3A_100 : vector<2048x128xf32>
    %reduce_sum3A_102 = arith.constant dense<0.000000e+00> : vector<2048xf32>
    %reduce_sum3A_103 = vector.multi_reduction <add>, %mul3A_101, %reduce_sum3A_102 [1] : vector<2048x128xf32> to vector<2048xf32>
    %broadcast_in_dim3A_104 = vector.shape_cast %reduce_sum3A_103 : vector<2048xf32> to vector<2048x1xf32>
    %reduce_max3A_105 = vector.shape_cast %broadcast_in_dim3A_104 : vector<2048x1xf32> to vector<1x2048x1xf32>
    %reduce_max3A_106 = arith.constant dense<0xFF800000> : vector<1xf32>
    %reduce_max3A_107 = vector.multi_reduction <maximumf>, %reduce_max3A_105, %reduce_max3A_106 [1, 2] : vector<1x2048x1xf32> to vector<1xf32>
    %reduce_max3A_108 = vector.shape_cast %reduce_max3A_107 : vector<1xf32> to vector<1x1x1xf32>
    %reduce_max3A_109 = vector.extract %reduce_max3A_108[0, 0, 0] : f32 from vector<1x1x1xf32>
    %sqrt3A_110 = math.sqrt %reduce_max3A_109 : f32
    %broadcast_in_dim3A_111 = vector.broadcast %sqrt3A_110 : f32 to vector<1x128xf32>
    %swap3A_112 = arith.constant 5 : index
    %swap3A_113 = arith.constant 0 : index
    %swap3A_114 = arith.constant 0 : index
    %swap3A_115 = vector.load %arg2[%swap3A_112, %swap3A_113, %swap3A_114] : memref<32x1x128xf32, #tpu.memory_space<vmem>>, vector<1x1x128xf32>
    %swap3A_116 = vector.shape_cast %swap3A_115 : vector<1x1x128xf32> to vector<1x128xf32>
    %swap3A_117 = vector.shape_cast %broadcast_in_dim3A_111 : vector<1x128xf32> to vector<1x1x128xf32>
    tpu.vector_store %arg2[%swap3A_112, %swap3A_113, %swap3A_114], %swap3A_117 {strides = array<i32>} : memref<32x1x128xf32, #tpu.memory_space<vmem>>, vector<1x1x128xf32>,
    %get3A_118 = arith.constant 0 : index
    %get3A_119 = arith.constant 768 : index
    %get3A_120 = vector.load %arg1[%get3A_118, %get3A_119] : memref<2048x4096xbf16, #tpu.memory_space<vmem>>, vector<2048x128xbf16>
    %convert_element_type3A_121 = arith.extf %get3A_120 : vector<2048x128xbf16> to vector<2048x128xf32>
    %mul3A_122 = arith.mulf %convert_element_type3A_121, %convert_element_type3A_121 : vector<2048x128xf32>
    %reduce_sum3A_123 = arith.constant dense<0.000000e+00> : vector<2048xf32>
    %reduce_sum3A_124 = vector.multi_reduction <add>, %mul3A_122, %reduce_sum3A_123 [1] : vector<2048x128xf32> to vector<2048xf32>
    %broadcast_in_dim3A_125 = vector.shape_cast %reduce_sum3A_124 : vector<2048xf32> to vector<2048x1xf32>
    %reduce_max3A_126 = vector.shape_cast %broadcast_in_dim3A_125 : vector<2048x1xf32> to vector<1x2048x1xf32>
    %reduce_max3A_127 = arith.constant dense<0xFF800000> : vector<1xf32>
    %reduce_max3A_128 = vector.multi_reduction <maximumf>, %reduce_max3A_126, %reduce_max3A_127 [1, 2] : vector<1x2048x1xf32> to vector<1xf32>
    %reduce_max3A_129 = vector.shape_cast %reduce_max3A_128 : vector<1xf32> to vector<1x1x1xf32>
    %reduce_max3A_130 = vector.extract %reduce_max3A_129[0, 0, 0] : f32 from vector<1x1x1xf32>
    %sqrt3A_131 = math.sqrt %reduce_max3A_130 : f32
    %broadcast_in_dim3A_132 = vector.broadcast %sqrt3A_131 : f32 to vector<1x128xf32>
    %swap3A_133 = arith.constant 6 : index
    %swap3A_134 = arith.constant 0 : index
    %swap3A_135 = arith.constant 0 : index
    %swap3A_136 = vector.load %arg2[%swap3A_133, %swap3A_134, %swap3A_135] : memref<32x1x128xf32, #tpu.memory_space<vmem>>, vector<1x1x128xf32>
    %swap3A_137 = vector.shape_cast %swap3A_136 : vector<1x1x128xf32> to vector<1x128xf32>
    %swap3A_138 = vector.shape_cast %broadcast_in_dim3A_132 : vector<1x128xf32> to vector<1x1x128xf32>
    tpu.vector_store %arg2[%swap3A_133, %swap3A_134, %swap3A_135], %swap3A_138 {strides = array<i32>} : memref<32x1x128xf32, #tpu.memory_space<vmem>>, vector<1x1x128xf32>,
    %get3A_139 = arith.constant 0 : index
    %get3A_140 = arith.constant 896 : index
    %get3A_141 = vector.load %arg1[%get3A_139, %get3A_140] : memref<2048x4096xbf16, #tpu.memory_space<vmem>>, vector<2048x128xbf16>
    %convert_element_type3A_142 = arith.extf %get3A_141 : vector<2048x128xbf16> to vector<2048x128xf32>
    %mul3A_143 = arith.mulf %convert_element_type3A_142, %convert_element_type3A_142 : vector<2048x128xf32>
    %reduce_sum3A_144 = arith.constant dense<0.000000e+00> : vector<2048xf32>
    %reduce_sum3A_145 = vector.multi_reduction <add>, %mul3A_143, %reduce_sum3A_144 [1] : vector<2048x128xf32> to vector<2048xf32>
    %broadcast_in_dim3A_146 = vector.shape_cast %reduce_sum3A_145 : vector<2048xf32> to vector<2048x1xf32>
    %reduce_max3A_147 = vector.shape_cast %broadcast_in_dim3A_146 : vector<2048x1xf32> to vector<1x2048x1xf32>
    %reduce_max3A_148 = arith.constant dense<0xFF800000> : vector<1xf32>
    %reduce_max3A_149 = vector.multi_reduction <maximumf>, %reduce_max3A_147, %reduce_max3A_148 [1, 2] : vector<1x2048x1xf32> to vector<1xf32>
    %reduce_max3A_150 = vector.shape_cast %reduce_max3A_149 : vector<1xf32> to vector<1x1x1xf32>
    %reduce_max3A_151 = vector.extract %reduce_max3A_150[0, 0, 0] : f32 from vector<1x1x1xf32>
    %sqrt3A_152 = math.sqrt %reduce_max3A_151 : f32
    %broadcast_in_dim3A_153 = vector.broadcast %sqrt3A_152 : f32 to vector<1x128xf32>
    %swap3A_154 = arith.constant 7 : index
    %swap3A_155 = arith.constant 0 : index
    %swap3A_156 = arith.constant 0 : index
    %swap3A_157 = vector.load %arg2[%swap3A_154, %swap3A_155, %swap3A_156] : memref<32x1x128xf32, #tpu.memory_space<vmem>>, vector<1x1x128xf32>
    %swap3A_158 = vector.shape_cast %swap3A_157 : vector<1x1x128xf32> to vector<1x128xf32>
    %swap3A_159 = vector.shape_cast %broadcast_in_dim3A_153 : vector<1x128xf32> to vector<1x1x128xf32>
    tpu.vector_store %arg2[%swap3A_154, %swap3A_155, %swap3A_156], %swap3A_159 {strides = array<i32>} : memref<32x1x128xf32, #tpu.memory_space<vmem>>, vector<1x1x128xf32>,
    %get3A_160 = arith.constant 0 : index
    %get3A_161 = arith.constant 1024 : index
    %get3A_162 = vector.load %arg1[%get3A_160, %get3A_161] : memref<2048x4096xbf16, #tpu.memory_space<vmem>>, vector<2048x128xbf16>
    %convert_element_type3A_163 = arith.extf %get3A_162 : vector<2048x128xbf16> to vector<2048x128xf32>
    %mul3A_164 = arith.mulf %convert_element_type3A_163, %convert_element_type3A_163 : vector<2048x128xf32>
    %reduce_sum3A_165 = arith.constant dense<0.000000e+00> : vector<2048xf32>
    %reduce_sum3A_166 = vector.multi_reduction <add>, %mul3A_164, %reduce_sum3A_165 [1] : vector<2048x128xf32> to vector<2048xf32>
    %broadcast_in_dim3A_167 = vector.shape_cast %reduce_sum3A_166 : vector<2048xf32> to vector<2048x1xf32>
    %reduce_max3A_168 = vector.shape_cast %broadcast_in_dim3A_167 : vector<2048x1xf32> to vector<1x2048x1xf32>
    %reduce_max3A_169 = arith.constant dense<0xFF800000> : vector<1xf32>
    %reduce_max3A_170 = vector.multi_reduction <maximumf>, %reduce_max3A_168, %reduce_max3A_169 [1, 2] : vector<1x2048x1xf32> to vector<1xf32>
    %reduce_max3A_171 = vector.shape_cast %reduce_max3A_170 : vector<1xf32> to vector<1x1x1xf32>
    %reduce_max3A_172 = vector.extract %reduce_max3A_171[0, 0, 0] : f32 from vector<1x1x1xf32>
    %sqrt3A_173 = math.sqrt %reduce_max3A_172 : f32
    %broadcast_in_dim3A_174 = vector.broadcast %sqrt3A_173 : f32 to vector<1x128xf32>
    %swap3A_175 = arith.constant 8 : index
    %swap3A_176 = arith.constant 0 : index
    %swap3A_177 = arith.constant 0 : index
    %swap3A_178 = vector.load %arg2[%swap3A_175, %swap3A_176, %swap3A_177] : memref<32x1x128xf32, #tpu.memory_space<vmem>>, vector<1x1x128xf32>
    %swap3A_179 = vector.shape_cast %swap3A_178 : vector<1x1x128xf32> to vector<1x128xf32>
    %swap3A_180 = vector.shape_cast %broadcast_in_dim3A_174 : vector<1x128xf32> to vector<1x1x128xf32>
    tpu.vector_store %arg2[%swap3A_175, %swap3A_176, %swap3A_177], %swap3A_180 {strides = array<i32>} : memref<32x1x128xf32, #tpu.memory_space<vmem>>, vector<1x1x128xf32>,
    %get3A_181 = arith.constant 0 : index
    %get3A_182 = arith.constant 1152 : index
    %get3A_183 = vector.load %arg1[%get3A_181, %get3A_182] : memref<2048x4096xbf16, #tpu.memory_space<vmem>>, vector<2048x128xbf16>
    %convert_element_type3A_184 = arith.extf %get3A_183 : vector<2048x128xbf16> to vector<2048x128xf32>
    %mul3A_185 = arith.mulf %convert_element_type3A_184, %convert_element_type3A_184 : vector<2048x128xf32>
    %reduce_sum3A_186 = arith.constant dense<0.000000e+00> : vector<2048xf32>
    %reduce_sum3A_187 = vector.multi_reduction <add>, %mul3A_185, %reduce_sum3A_186 [1] : vector<2048x128xf32> to vector<2048xf32>
    %broadcast_in_dim3A_188 = vector.shape_cast %reduce_sum3A_187 : vector<2048xf32> to vector<2048x1xf32>
    %reduce_max3A_189 = vector.shape_cast %broadcast_in_dim3A_188 : vector<2048x1xf32> to vector<1x2048x1xf32>
    %reduce_max3A_190 = arith.constant dense<0xFF800000> : vector<1xf32>
    %reduce_max3A_191 = vector.multi_reduction <maximumf>, %reduce_max3A_189, %reduce_max3A_190 [1, 2] : vector<1x2048x1xf32> to vector<1xf32>
    %reduce_max3A_192 = vector.shape_cast %reduce_max3A_191 : vector<1xf32> to vector<1x1x1xf32>
    %reduce_max3A_193 = vector.extract %reduce_max3A_192[0, 0, 0] : f32 from vector<1x1x1xf32>
    %sqrt3A_194 = math.sqrt %reduce_max3A_193 : f32
    %broadcast_in_dim3A_195 = vector.broadcast %sqrt3A_194 : f32 to vector<1x128xf32>
    %swap3A_196 = arith.constant 9 : index
    %swap3A_197 = arith.constant 0 : index
    %swap3A_198 = arith.constant 0 : index
    %swap3A_199 = vector.load %arg2[%swap3A_196, %swap3A_197, %swap3A_198] : memref<32x1x128xf32, #tpu.memory_space<vmem>>, vector<1x1x128xf32>
    %swap3A_200 = vector.shape_cast %swap3A_199 : vector<1x1x128xf32> to vector<1x128xf32>
    %swap3A_201 = vector.shape_cast %broadcast_in_dim3A_195 : vector<1x128xf32> to vector<1x1x128xf32>
    tpu.vector_store %arg2[%swap3A_196, %swap3A_197, %swap3A_198], %swap3A_201 {strides = array<i32>} : memref<32x1x128xf32, #tpu.memory_space<vmem>>, vector<1x1x128xf32>,
    %get3A_202 = arith.constant 0 : index
    %get3A_203 = arith.constant 1280 : index
    %get3A_204 = vector.load %arg1[%get3A_202, %get3A_203] : memref<2048x4096xbf16, #tpu.memory_space<vmem>>, vector<2048x128xbf16>
    %convert_element_type3A_205 = arith.extf %get3A_204 : vector<2048x128xbf16> to vector<2048x128xf32>
    %mul3A_206 = arith.mulf %convert_element_type3A_205, %convert_element_type3A_205 : vector<2048x128xf32>
    %reduce_sum3A_207 = arith.constant dense<0.000000e+00> : vector<2048xf32>
    %reduce_sum3A_208 = vector.multi_reduction <add>, %mul3A_206, %reduce_sum3A_207 [1] : vector<2048x128xf32> to vector<2048xf32>
    %broadcast_in_dim3A_209 = vector.shape_cast %reduce_sum3A_208 : vector<2048xf32> to vector<2048x1xf32>
    %reduce_max3A_210 = vector.shape_cast %broadcast_in_dim3A_209 : vector<2048x1xf32> to vector<1x2048x1xf32>
    %reduce_max3A_211 = arith.constant dense<0xFF800000> : vector<1xf32>
    %reduce_max3A_212 = vector.multi_reduction <maximumf>, %reduce_max3A_210, %reduce_max3A_211 [1, 2] : vector<1x2048x1xf32> to vector<1xf32>
    %reduce_max3A_213 = vector.shape_cast %reduce_max3A_212 : vector<1xf32> to vector<1x1x1xf32>
    %reduce_max3A_214 = vector.extract %reduce_max3A_213[0, 0, 0] : f32 from vector<1x1x1xf32>
    %sqrt3A_215 = math.sqrt %reduce_max3A_214 : f32
    %broadcast_in_dim3A_216 = vector.broadcast %sqrt3A_215 : f32 to vector<1x128xf32>
    %swap3A_217 = arith.constant 10 : index
    %swap3A_218 = arith.constant 0 : index
    %swap3A_219 = arith.constant 0 : index
    %swap3A_220 = vector.load %arg2[%swap3A_217, %swap3A_218, %swap3A_219] : memref<32x1x128xf32, #tpu.memory_space<vmem>>, vector<1x1x128xf32>
    %swap3A_221 = vector.shape_cast %swap3A_220 : vector<1x1x128xf32> to vector<1x128xf32>
    %swap3A_222 = vector.shape_cast %broadcast_in_dim3A_216 : vector<1x128xf32> to vector<1x1x128xf32>
    tpu.vector_store %arg2[%swap3A_217, %swap3A_218, %swap3A_219], %swap3A_222 {strides = array<i32>} : memref<32x1x128xf32, #tpu.memory_space<vmem>>, vector<1x1x128xf32>,
    %get3A_223 = arith.constant 0 : index
    %get3A_224 = arith.constant 1408 : index
    %get3A_225 = vector.load %arg1[%get3A_223, %get3A_224] : memref<2048x4096xbf16, #tpu.memory_space<vmem>>, vector<2048x128xbf16>
    %convert_element_type3A_226 = arith.extf %get3A_225 : vector<2048x128xbf16> to vector<2048x128xf32>
    %mul3A_227 = arith.mulf %convert_element_type3A_226, %convert_element_type3A_226 : vector<2048x128xf32>
    %reduce_sum3A_228 = arith.constant dense<0.000000e+00> : vector<2048xf32>
    %reduce_sum3A_229 = vector.multi_reduction <add>, %mul3A_227, %reduce_sum3A_228 [1] : vector<2048x128xf32> to vector<2048xf32>
    %broadcast_in_dim3A_230 = vector.shape_cast %reduce_sum3A_229 : vector<2048xf32> to vector<2048x1xf32>
    %reduce_max3A_231 = vector.shape_cast %broadcast_in_dim3A_230 : vector<2048x1xf32> to vector<1x2048x1xf32>
    %reduce_max3A_232 = arith.constant dense<0xFF800000> : vector<1xf32>
    %reduce_max3A_233 = vector.multi_reduction <maximumf>, %reduce_max3A_231, %reduce_max3A_232 [1, 2] : vector<1x2048x1xf32> to vector<1xf32>
    %reduce_max3A_234 = vector.shape_cast %reduce_max3A_233 : vector<1xf32> to vector<1x1x1xf32>
    %reduce_max3A_235 = vector.extract %reduce_max3A_234[0, 0, 0] : f32 from vector<1x1x1xf32>
    %sqrt3A_236 = math.sqrt %reduce_max3A_235 : f32
    %broadcast_in_dim3A_237 = vector.broadcast %sqrt3A_236 : f32 to vector<1x128xf32>
    %swap3A_238 = arith.constant 11 : index
    %swap3A_239 = arith.constant 0 : index
    %swap3A_240 = arith.constant 0 : index
    %swap3A_241 = vector.load %arg2[%swap3A_238, %swap3A_239, %swap3A_240] : memref<32x1x128xf32, #tpu.memory_space<vmem>>, vector<1x1x128xf32>
    %swap3A_242 = vector.shape_cast %swap3A_241 : vector<1x1x128xf32> to vector<1x128xf32>
    %swap3A_243 = vector.shape_cast %broadcast_in_dim3A_237 : vector<1x128xf32> to vector<1x1x128xf32>
    tpu.vector_store %arg2[%swap3A_238, %swap3A_239, %swap3A_240], %swap3A_243 {strides = array<i32>} : memref<32x1x128xf32, #tpu.memory_space<vmem>>, vector<1x1x128xf32>,
    %get3A_244 = arith.constant 0 : index
    %get3A_245 = arith.constant 1536 : index
    %get3A_246 = vector.load %arg1[%get3A_244, %get3A_245] : memref<2048x4096xbf16, #tpu.memory_space<vmem>>, vector<2048x128xbf16>
    %convert_element_type3A_247 = arith.extf %get3A_246 : vector<2048x128xbf16> to vector<2048x128xf32>
    %mul3A_248 = arith.mulf %convert_element_type3A_247, %convert_element_type3A_247 : vector<2048x128xf32>
    %reduce_sum3A_249 = arith.constant dense<0.000000e+00> : vector<2048xf32>
    %reduce_sum3A_250 = vector.multi_reduction <add>, %mul3A_248, %reduce_sum3A_249 [1] : vector<2048x128xf32> to vector<2048xf32>
    %broadcast_in_dim3A_251 = vector.shape_cast %reduce_sum3A_250 : vector<2048xf32> to vector<2048x1xf32>
    %reduce_max3A_252 = vector.shape_cast %broadcast_in_dim3A_251 : vector<2048x1xf32> to vector<1x2048x1xf32>
    %reduce_max3A_253 = arith.constant dense<0xFF800000> : vector<1xf32>
    %reduce_max3A_254 = vector.multi_reduction <maximumf>, %reduce_max3A_252, %reduce_max3A_253 [1, 2] : vector<1x2048x1xf32> to vector<1xf32>
    %reduce_max3A_255 = vector.shape_cast %reduce_max3A_254 : vector<1xf32> to vector<1x1x1xf32>
    %reduce_max3A_256 = vector.extract %reduce_max3A_255[0, 0, 0] : f32 from vector<1x1x1xf32>
    %sqrt3A_257 = math.sqrt %reduce_max3A_256 : f32
    %broadcast_in_dim3A_258 = vector.broadcast %sqrt3A_257 : f32 to vector<1x128xf32>
    %swap3A_259 = arith.constant 12 : index
    %swap3A_260 = arith.constant 0 : index
    %swap3A_261 = arith.constant 0 : index
    %swap3A_262 = vector.load %arg2[%swap3A_259, %swap3A_260, %swap3A_261] : memref<32x1x128xf32, #tpu.memory_space<vmem>>, vector<1x1x128xf32>
    %swap3A_263 = vector.shape_cast %swap3A_262 : vector<1x1x128xf32> to vector<1x128xf32>
    %swap3A_264 = vector.shape_cast %broadcast_in_dim3A_258 : vector<1x128xf32> to vector<1x1x128xf32>
    tpu.vector_store %arg2[%swap3A_259, %swap3A_260, %swap3A_261], %swap3A_264 {strides = array<i32>} : memref<32x1x128xf32, #tpu.memory_space<vmem>>, vector<1x1x128xf32>,
    %get3A_265 = arith.constant 0 : index
    %get3A_266 = arith.constant 1664 : index
    %get3A_267 = vector.load %arg1[%get3A_265, %get3A_266] : memref<2048x4096xbf16, #tpu.memory_space<vmem>>, vector<2048x128xbf16>
    %convert_element_type3A_268 = arith.extf %get3A_267 : vector<2048x128xbf16> to vector<2048x128xf32>
    %mul3A_269 = arith.mulf %convert_element_type3A_268, %convert_element_type3A_268 : vector<2048x128xf32>
    %reduce_sum3A_270 = arith.constant dense<0.000000e+00> : vector<2048xf32>
    %reduce_sum3A_271 = vector.multi_reduction <add>, %mul3A_269, %reduce_sum3A_270 [1] : vector<2048x128xf32> to vector<2048xf32>
    %broadcast_in_dim3A_272 = vector.shape_cast %reduce_sum3A_271 : vector<2048xf32> to vector<2048x1xf32>
    %reduce_max3A_273 = vector.shape_cast %broadcast_in_dim3A_272 : vector<2048x1xf32> to vector<1x2048x1xf32>
    %reduce_max3A_274 = arith.constant dense<0xFF800000> : vector<1xf32>
    %reduce_max3A_275 = vector.multi_reduction <maximumf>, %reduce_max3A_273, %reduce_max3A_274 [1, 2] : vector<1x2048x1xf32> to vector<1xf32>
    %reduce_max3A_276 = vector.shape_cast %reduce_max3A_275 : vector<1xf32> to vector<1x1x1xf32>
    %reduce_max3A_277 = vector.extract %reduce_max3A_276[0, 0, 0] : f32 from vector<1x1x1xf32>
    %sqrt3A_278 = math.sqrt %reduce_max3A_277 : f32
    %broadcast_in_dim3A_279 = vector.broadcast %sqrt3A_278 : f32 to vector<1x128xf32>
    %swap3A_280 = arith.constant 13 : index
    %swap3A_281 = arith.constant 0 : index
    %swap3A_282 = arith.constant 0 : index
    %swap3A_283 = vector.load %arg2[%swap3A_280, %swap3A_281, %swap3A_282] : memref<32x1x128xf32, #tpu.memory_space<vmem>>, vector<1x1x128xf32>
    %swap3A_284 = vector.shape_cast %swap3A_283 : vector<1x1x128xf32> to vector<1x128xf32>
    %swap3A_285 = vector.shape_cast %broadcast_in_dim3A_279 : vector<1x128xf32> to vector<1x1x128xf32>
    tpu.vector_store %arg2[%swap3A_280, %swap3A_281, %swap3A_282], %swap3A_285 {strides = array<i32>} : memref<32x1x128xf32, #tpu.memory_space<vmem>>, vector<1x1x128xf32>,
    %get3A_286 = arith.constant 0 : index
    %get3A_287 = arith.constant 1792 : index
    %get3A_288 = vector.load %arg1[%get3A_286, %get3A_287] : memref<2048x4096xbf16, #tpu.memory_space<vmem>>, vector<2048x128xbf16>
    %convert_element_type3A_289 = arith.extf %get3A_288 : vector<2048x128xbf16> to vector<2048x128xf32>
    %mul3A_290 = arith.mulf %convert_element_type3A_289, %convert_element_type3A_289 : vector<2048x128xf32>
    %reduce_sum3A_291 = arith.constant dense<0.000000e+00> : vector<2048xf32>
    %reduce_sum3A_292 = vector.multi_reduction <add>, %mul3A_290, %reduce_sum3A_291 [1] : vector<2048x128xf32> to vector<2048xf32>
    %broadcast_in_dim3A_293 = vector.shape_cast %reduce_sum3A_292 : vector<2048xf32> to vector<2048x1xf32>
    %reduce_max3A_294 = vector.shape_cast %broadcast_in_dim3A_293 : vector<2048x1xf32> to vector<1x2048x1xf32>
    %reduce_max3A_295 = arith.constant dense<0xFF800000> : vector<1xf32>
    %reduce_max3A_296 = vector.multi_reduction <maximumf>, %reduce_max3A_294, %reduce_max3A_295 [1, 2] : vector<1x2048x1xf32> to vector<1xf32>
    %reduce_max3A_297 = vector.shape_cast %reduce_max3A_296 : vector<1xf32> to vector<1x1x1xf32>
    %reduce_max3A_298 = vector.extract %reduce_max3A_297[0, 0, 0] : f32 from vector<1x1x1xf32>
    %sqrt3A_299 = math.sqrt %reduce_max3A_298 : f32
    %broadcast_in_dim3A_300 = vector.broadcast %sqrt3A_299 : f32 to vector<1x128xf32>
    %swap3A_301 = arith.constant 14 : index
    %swap3A_302 = arith.constant 0 : index
    %swap3A_303 = arith.constant 0 : index
    %swap3A_304 = vector.load %arg2[%swap3A_301, %swap3A_302, %swap3A_303] : memref<32x1x128xf32, #tpu.memory_space<vmem>>, vector<1x1x128xf32>
    %swap3A_305 = vector.shape_cast %swap3A_304 : vector<1x1x128xf32> to vector<1x128xf32>
    %swap3A_306 = vector.shape_cast %broadcast_in_dim3A_300 : vector<1x128xf32> to vector<1x1x128xf32>
    tpu.vector_store %arg2[%swap3A_301, %swap3A_302, %swap3A_303], %swap3A_306 {strides = array<i32>} : memref<32x1x128xf32, #tpu.memory_space<vmem>>, vector<1x1x128xf32>,
    %get3A_307 = arith.constant 0 : index
    %get3A_308 = arith.constant 1920 : index
    %get3A_309 = vector.load %arg1[%get3A_307, %get3A_308] : memref<2048x4096xbf16, #tpu.memory_space<vmem>>, vector<2048x128xbf16>
    %convert_element_type3A_310 = arith.extf %get3A_309 : vector<2048x128xbf16> to vector<2048x128xf32>
    %mul3A_311 = arith.mulf %convert_element_type3A_310, %convert_element_type3A_310 : vector<2048x128xf32>
    %reduce_sum3A_312 = arith.constant dense<0.000000e+00> : vector<2048xf32>
    %reduce_sum3A_313 = vector.multi_reduction <add>, %mul3A_311, %reduce_sum3A_312 [1] : vector<2048x128xf32> to vector<2048xf32>
    %broadcast_in_dim3A_314 = vector.shape_cast %reduce_sum3A_313 : vector<2048xf32> to vector<2048x1xf32>
    %reduce_max3A_315 = vector.shape_cast %broadcast_in_dim3A_314 : vector<2048x1xf32> to vector<1x2048x1xf32>
    %reduce_max3A_316 = arith.constant dense<0xFF800000> : vector<1xf32>
    %reduce_max3A_317 = vector.multi_reduction <maximumf>, %reduce_max3A_315, %reduce_max3A_316 [1, 2] : vector<1x2048x1xf32> to vector<1xf32>
    %reduce_max3A_318 = vector.shape_cast %reduce_max3A_317 : vector<1xf32> to vector<1x1x1xf32>
    %reduce_max3A_319 = vector.extract %reduce_max3A_318[0, 0, 0] : f32 from vector<1x1x1xf32>
    %sqrt3A_320 = math.sqrt %reduce_max3A_319 : f32
    %broadcast_in_dim3A_321 = vector.broadcast %sqrt3A_320 : f32 to vector<1x128xf32>
    %swap3A_322 = arith.constant 15 : index
    %swap3A_323 = arith.constant 0 : index
    %swap3A_324 = arith.constant 0 : index
    %swap3A_325 = vector.load %arg2[%swap3A_322, %swap3A_323, %swap3A_324] : memref<32x1x128xf32, #tpu.memory_space<vmem>>, vector<1x1x128xf32>
    %swap3A_326 = vector.shape_cast %swap3A_325 : vector<1x1x128xf32> to vector<1x128xf32>
    %swap3A_327 = vector.shape_cast %broadcast_in_dim3A_321 : vector<1x128xf32> to vector<1x1x128xf32>
    tpu.vector_store %arg2[%swap3A_322, %swap3A_323, %swap3A_324], %swap3A_327 {strides = array<i32>} : memref<32x1x128xf32, #tpu.memory_space<vmem>>, vector<1x1x128xf32>,
    %get3A_328 = arith.constant 0 : index
    %get3A_329 = arith.constant 2048 : index
    %get3A_330 = vector.load %arg1[%get3A_328, %get3A_329] : memref<2048x4096xbf16, #tpu.memory_space<vmem>>, vector<2048x128xbf16>
    %convert_element_type3A_331 = arith.extf %get3A_330 : vector<2048x128xbf16> to vector<2048x128xf32>
    %mul3A_332 = arith.mulf %convert_element_type3A_331, %convert_element_type3A_331 : vector<2048x128xf32>
    %reduce_sum3A_333 = arith.constant dense<0.000000e+00> : vector<2048xf32>
    %reduce_sum3A_334 = vector.multi_reduction <add>, %mul3A_332, %reduce_sum3A_333 [1] : vector<2048x128xf32> to vector<2048xf32>
    %broadcast_in_dim3A_335 = vector.shape_cast %reduce_sum3A_334 : vector<2048xf32> to vector<2048x1xf32>
    %reduce_max3A_336 = vector.shape_cast %broadcast_in_dim3A_335 : vector<2048x1xf32> to vector<1x2048x1xf32>
    %reduce_max3A_337 = arith.constant dense<0xFF800000> : vector<1xf32>
    %reduce_max3A_338 = vector.multi_reduction <maximumf>, %reduce_max3A_336, %reduce_max3A_337 [1, 2] : vector<1x2048x1xf32> to vector<1xf32>
    %reduce_max3A_339 = vector.shape_cast %reduce_max3A_338 : vector<1xf32> to vector<1x1x1xf32>
    %reduce_max3A_340 = vector.extract %reduce_max3A_339[0, 0, 0] : f32 from vector<1x1x1xf32>
    %sqrt3A_341 = math.sqrt %reduce_max3A_340 : f32
    %broadcast_in_dim3A_342 = vector.broadcast %sqrt3A_341 : f32 to vector<1x128xf32>
    %swap3A_343 = arith.constant 16 : index
    %swap3A_344 = arith.constant 0 : index
    %swap3A_345 = arith.constant 0 : index
    %swap3A_346 = vector.load %arg2[%swap3A_343, %swap3A_344, %swap3A_345] : memref<32x1x128xf32, #tpu.memory_space<vmem>>, vector<1x1x128xf32>
    %swap3A_347 = vector.shape_cast %swap3A_346 : vector<1x1x128xf32> to vector<1x128xf32>
    %swap3A_348 = vector.shape_cast %broadcast_in_dim3A_342 : vector<1x128xf32> to vector<1x1x128xf32>
    tpu.vector_store %arg2[%swap3A_343, %swap3A_344, %swap3A_345], %swap3A_348 {strides = array<i32>} : memref<32x1x128xf32, #tpu.memory_space<vmem>>, vector<1x1x128xf32>,
    %get3A_349 = arith.constant 0 : index
    %get3A_350 = arith.constant 2176 : index
    %get3A_351 = vector.load %arg1[%get3A_349, %get3A_350] : memref<2048x4096xbf16, #tpu.memory_space<vmem>>, vector<2048x128xbf16>
    %convert_element_type3A_352 = arith.extf %get3A_351 : vector<2048x128xbf16> to vector<2048x128xf32>
    %mul3A_353 = arith.mulf %convert_element_type3A_352, %convert_element_type3A_352 : vector<2048x128xf32>
    %reduce_sum3A_354 = arith.constant dense<0.000000e+00> : vector<2048xf32>
    %reduce_sum3A_355 = vector.multi_reduction <add>, %mul3A_353, %reduce_sum3A_354 [1] : vector<2048x128xf32> to vector<2048xf32>
    %broadcast_in_dim3A_356 = vector.shape_cast %reduce_sum3A_355 : vector<2048xf32> to vector<2048x1xf32>
    %reduce_max3A_357 = vector.shape_cast %broadcast_in_dim3A_356 : vector<2048x1xf32> to vector<1x2048x1xf32>
    %reduce_max3A_358 = arith.constant dense<0xFF800000> : vector<1xf32>
    %reduce_max3A_359 = vector.multi_reduction <maximumf>, %reduce_max3A_357, %reduce_max3A_358 [1, 2] : vector<1x2048x1xf32> to vector<1xf32>
    %reduce_max3A_360 = vector.shape_cast %reduce_max3A_359 : vector<1xf32> to vector<1x1x1xf32>
    %reduce_max3A_361 = vector.extract %reduce_max3A_360[0, 0, 0] : f32 from vector<1x1x1xf32>
    %sqrt3A_362 = math.sqrt %reduce_max3A_361 : f32
    %broadcast_in_dim3A_363 = vector.broadcast %sqrt3A_362 : f32 to vector<1x128xf32>
    %swap3A_364 = arith.constant 17 : index
    %swap3A_365 = arith.constant 0 : index
    %swap3A_366 = arith.constant 0 : index
    %swap3A_367 = vector.load %arg2[%swap3A_364, %swap3A_365, %swap3A_366] : memref<32x1x128xf32, #tpu.memory_space<vmem>>, vector<1x1x128xf32>
    %swap3A_368 = vector.shape_cast %swap3A_367 : vector<1x1x128xf32> to vector<1x128xf32>
    %swap3A_369 = vector.shape_cast %broadcast_in_dim3A_363 : vector<1x128xf32> to vector<1x1x128xf32>
    tpu.vector_store %arg2[%swap3A_364, %swap3A_365, %swap3A_366], %swap3A_369 {strides = array<i32>} : memref<32x1x128xf32, #tpu.memory_space<vmem>>, vector<1x1x128xf32>,
    %get3A_370 = arith.constant 0 : index
    %get3A_371 = arith.constant 2304 : index
    %get3A_372 = vector.load %arg1[%get3A_370, %get3A_371] : memref<2048x4096xbf16, #tpu.memory_space<vmem>>, vector<2048x128xbf16>
    %convert_element_type3A_373 = arith.extf %get3A_372 : vector<2048x128xbf16> to vector<2048x128xf32>
    %mul3A_374 = arith.mulf %convert_element_type3A_373, %convert_element_type3A_373 : vector<2048x128xf32>
    %reduce_sum3A_375 = arith.constant dense<0.000000e+00> : vector<2048xf32>
    %reduce_sum3A_376 = vector.multi_reduction <add>, %mul3A_374, %reduce_sum3A_375 [1] : vector<2048x128xf32> to vector<2048xf32>
    %broadcast_in_dim3A_377 = vector.shape_cast %reduce_sum3A_376 : vector<2048xf32> to vector<2048x1xf32>
    %reduce_max3A_378 = vector.shape_cast %broadcast_in_dim3A_377 : vector<2048x1xf32> to vector<1x2048x1xf32>
    %reduce_max3A_379 = arith.constant dense<0xFF800000> : vector<1xf32>
    %reduce_max3A_380 = vector.multi_reduction <maximumf>, %reduce_max3A_378, %reduce_max3A_379 [1, 2] : vector<1x2048x1xf32> to vector<1xf32>
    %reduce_max3A_381 = vector.shape_cast %reduce_max3A_380 : vector<1xf32> to vector<1x1x1xf32>
    %reduce_max3A_382 = vector.extract %reduce_max3A_381[0, 0, 0] : f32 from vector<1x1x1xf32>
    %sqrt3A_383 = math.sqrt %reduce_max3A_382 : f32
    %broadcast_in_dim3A_384 = vector.broadcast %sqrt3A_383 : f32 to vector<1x128xf32>
    %swap3A_385 = arith.constant 18 : index
    %swap3A_386 = arith.constant 0 : index
    %swap3A_387 = arith.constant 0 : index
    %swap3A_388 = vector.load %arg2[%swap3A_385, %swap3A_386, %swap3A_387] : memref<32x1x128xf32, #tpu.memory_space<vmem>>, vector<1x1x128xf32>
    %swap3A_389 = vector.shape_cast %swap3A_388 : vector<1x1x128xf32> to vector<1x128xf32>
    %swap3A_390 = vector.shape_cast %broadcast_in_dim3A_384 : vector<1x128xf32> to vector<1x1x128xf32>
    tpu.vector_store %arg2[%swap3A_385, %swap3A_386, %swap3A_387], %swap3A_390 {strides = array<i32>} : memref<32x1x128xf32, #tpu.memory_space<vmem>>, vector<1x1x128xf32>,
    %get3A_391 = arith.constant 0 : index
    %get3A_392 = arith.constant 2432 : index
    %get3A_393 = vector.load %arg1[%get3A_391, %get3A_392] : memref<2048x4096xbf16, #tpu.memory_space<vmem>>, vector<2048x128xbf16>
    %convert_element_type3A_394 = arith.extf %get3A_393 : vector<2048x128xbf16> to vector<2048x128xf32>
    %mul3A_395 = arith.mulf %convert_element_type3A_394, %convert_element_type3A_394 : vector<2048x128xf32>
    %reduce_sum3A_396 = arith.constant dense<0.000000e+00> : vector<2048xf32>
    %reduce_sum3A_397 = vector.multi_reduction <add>, %mul3A_395, %reduce_sum3A_396 [1] : vector<2048x128xf32> to vector<2048xf32>
    %broadcast_in_dim3A_398 = vector.shape_cast %reduce_sum3A_397 : vector<2048xf32> to vector<2048x1xf32>
    %reduce_max3A_399 = vector.shape_cast %broadcast_in_dim3A_398 : vector<2048x1xf32> to vector<1x2048x1xf32>
    %reduce_max3A_400 = arith.constant dense<0xFF800000> : vector<1xf32>
    %reduce_max3A_401 = vector.multi_reduction <maximumf>, %reduce_max3A_399, %reduce_max3A_400 [1, 2] : vector<1x2048x1xf32> to vector<1xf32>
    %reduce_max3A_402 = vector.shape_cast %reduce_max3A_401 : vector<1xf32> to vector<1x1x1xf32>
    %reduce_max3A_403 = vector.extract %reduce_max3A_402[0, 0, 0] : f32 from vector<1x1x1xf32>
    %sqrt3A_404 = math.sqrt %reduce_max3A_403 : f32
    %broadcast_in_dim3A_405 = vector.broadcast %sqrt3A_404 : f32 to vector<1x128xf32>
    %swap3A_406 = arith.constant 19 : index
    %swap3A_407 = arith.constant 0 : index
    %swap3A_408 = arith.constant 0 : index
    %swap3A_409 = vector.load %arg2[%swap3A_406, %swap3A_407, %swap3A_408] : memref<32x1x128xf32, #tpu.memory_space<vmem>>, vector<1x1x128xf32>
    %swap3A_410 = vector.shape_cast %swap3A_409 : vector<1x1x128xf32> to vector<1x128xf32>
    %swap3A_411 = vector.shape_cast %broadcast_in_dim3A_405 : vector<1x128xf32> to vector<1x1x128xf32>
    tpu.vector_store %arg2[%swap3A_406, %swap3A_407, %swap3A_408], %swap3A_411 {strides = array<i32>} : memref<32x1x128xf32, #tpu.memory_space<vmem>>, vector<1x1x128xf32>,
    %get3A_412 = arith.constant 0 : index
    %get3A_413 = arith.constant 2560 : index
    %get3A_414 = vector.load %arg1[%get3A_412, %get3A_413] : memref<2048x4096xbf16, #tpu.memory_space<vmem>>, vector<2048x128xbf16>
    %convert_element_type3A_415 = arith.extf %get3A_414 : vector<2048x128xbf16> to vector<2048x128xf32>
    %mul3A_416 = arith.mulf %convert_element_type3A_415, %convert_element_type3A_415 : vector<2048x128xf32>
    %reduce_sum3A_417 = arith.constant dense<0.000000e+00> : vector<2048xf32>
    %reduce_sum3A_418 = vector.multi_reduction <add>, %mul3A_416, %reduce_sum3A_417 [1] : vector<2048x128xf32> to vector<2048xf32>
    %broadcast_in_dim3A_419 = vector.shape_cast %reduce_sum3A_418 : vector<2048xf32> to vector<2048x1xf32>
    %reduce_max3A_420 = vector.shape_cast %broadcast_in_dim3A_419 : vector<2048x1xf32> to vector<1x2048x1xf32>
    %reduce_max3A_421 = arith.constant dense<0xFF800000> : vector<1xf32>
    %reduce_max3A_422 = vector.multi_reduction <maximumf>, %reduce_max3A_420, %reduce_max3A_421 [1, 2] : vector<1x2048x1xf32> to vector<1xf32>
    %reduce_max3A_423 = vector.shape_cast %reduce_max3A_422 : vector<1xf32> to vector<1x1x1xf32>
    %reduce_max3A_424 = vector.extract %reduce_max3A_423[0, 0, 0] : f32 from vector<1x1x1xf32>
    %sqrt3A_425 = math.sqrt %reduce_max3A_424 : f32
    %broadcast_in_dim3A_426 = vector.broadcast %sqrt3A_425 : f32 to vector<1x128xf32>
    %swap3A_427 = arith.constant 20 : index
    %swap3A_428 = arith.constant 0 : index
    %swap3A_429 = arith.constant 0 : index
    %swap3A_430 = vector.load %arg2[%swap3A_427, %swap3A_428, %swap3A_429] : memref<32x1x128xf32, #tpu.memory_space<vmem>>, vector<1x1x128xf32>
    %swap3A_431 = vector.shape_cast %swap3A_430 : vector<1x1x128xf32> to vector<1x128xf32>
    %swap3A_432 = vector.shape_cast %broadcast_in_dim3A_426 : vector<1x128xf32> to vector<1x1x128xf32>
    tpu.vector_store %arg2[%swap3A_427, %swap3A_428, %swap3A_429], %swap3A_432 {strides = array<i32>} : memref<32x1x128xf32, #tpu.memory_space<vmem>>, vector<1x1x128xf32>,
    %get3A_433 = arith.constant 0 : index
    %get3A_434 = arith.constant 2688 : index
    %get3A_435 = vector.load %arg1[%get3A_433, %get3A_434] : memref<2048x4096xbf16, #tpu.memory_space<vmem>>, vector<2048x128xbf16>
    %convert_element_type3A_436 = arith.extf %get3A_435 : vector<2048x128xbf16> to vector<2048x128xf32>
    %mul3A_437 = arith.mulf %convert_element_type3A_436, %convert_element_type3A_436 : vector<2048x128xf32>
    %reduce_sum3A_438 = arith.constant dense<0.000000e+00> : vector<2048xf32>
    %reduce_sum3A_439 = vector.multi_reduction <add>, %mul3A_437, %reduce_sum3A_438 [1] : vector<2048x128xf32> to vector<2048xf32>
    %broadcast_in_dim3A_440 = vector.shape_cast %reduce_sum3A_439 : vector<2048xf32> to vector<2048x1xf32>
    %reduce_max3A_441 = vector.shape_cast %broadcast_in_dim3A_440 : vector<2048x1xf32> to vector<1x2048x1xf32>
    %reduce_max3A_442 = arith.constant dense<0xFF800000> : vector<1xf32>
    %reduce_max3A_443 = vector.multi_reduction <maximumf>, %reduce_max3A_441, %reduce_max3A_442 [1, 2] : vector<1x2048x1xf32> to vector<1xf32>
    %reduce_max3A_444 = vector.shape_cast %reduce_max3A_443 : vector<1xf32> to vector<1x1x1xf32>
    %reduce_max3A_445 = vector.extract %reduce_max3A_444[0, 0, 0] : f32 from vector<1x1x1xf32>
    %sqrt3A_446 = math.sqrt %reduce_max3A_445 : f32
    %broadcast_in_dim3A_447 = vector.broadcast %sqrt3A_446 : f32 to vector<1x128xf32>
    %swap3A_448 = arith.constant 21 : index
    %swap3A_449 = arith.constant 0 : index
    %swap3A_450 = arith.constant 0 : index
    %swap3A_451 = vector.load %arg2[%swap3A_448, %swap3A_449, %swap3A_450] : memref<32x1x128xf32, #tpu.memory_space<vmem>>, vector<1x1x128xf32>
    %swap3A_452 = vector.shape_cast %swap3A_451 : vector<1x1x128xf32> to vector<1x128xf32>
    %swap3A_453 = vector.shape_cast %broadcast_in_dim3A_447 : vector<1x128xf32> to vector<1x1x128xf32>
    tpu.vector_store %arg2[%swap3A_448, %swap3A_449, %swap3A_450], %swap3A_453 {strides = array<i32>} : memref<32x1x128xf32, #tpu.memory_space<vmem>>, vector<1x1x128xf32>,
    %get3A_454 = arith.constant 0 : index
    %get3A_455 = arith.constant 2816 : index
    %get3A_456 = vector.load %arg1[%get3A_454, %get3A_455] : memref<2048x4096xbf16, #tpu.memory_space<vmem>>, vector<2048x128xbf16>
    %convert_element_type3A_457 = arith.extf %get3A_456 : vector<2048x128xbf16> to vector<2048x128xf32>
    %mul3A_458 = arith.mulf %convert_element_type3A_457, %convert_element_type3A_457 : vector<2048x128xf32>
    %reduce_sum3A_459 = arith.constant dense<0.000000e+00> : vector<2048xf32>
    %reduce_sum3A_460 = vector.multi_reduction <add>, %mul3A_458, %reduce_sum3A_459 [1] : vector<2048x128xf32> to vector<2048xf32>
    %broadcast_in_dim3A_461 = vector.shape_cast %reduce_sum3A_460 : vector<2048xf32> to vector<2048x1xf32>
    %reduce_max3A_462 = vector.shape_cast %broadcast_in_dim3A_461 : vector<2048x1xf32> to vector<1x2048x1xf32>
    %reduce_max3A_463 = arith.constant dense<0xFF800000> : vector<1xf32>
    %reduce_max3A_464 = vector.multi_reduction <maximumf>, %reduce_max3A_462, %reduce_max3A_463 [1, 2] : vector<1x2048x1xf32> to vector<1xf32>
    %reduce_max3A_465 = vector.shape_cast %reduce_max3A_464 : vector<1xf32> to vector<1x1x1xf32>
    %reduce_max3A_466 = vector.extract %reduce_max3A_465[0, 0, 0] : f32 from vector<1x1x1xf32>
    %sqrt3A_467 = math.sqrt %reduce_max3A_466 : f32
    %broadcast_in_dim3A_468 = vector.broadcast %sqrt3A_467 : f32 to vector<1x128xf32>
    %swap3A_469 = arith.constant 22 : index
    %swap3A_470 = arith.constant 0 : index
    %swap3A_471 = arith.constant 0 : index
    %swap3A_472 = vector.load %arg2[%swap3A_469, %swap3A_470, %swap3A_471] : memref<32x1x128xf32, #tpu.memory_space<vmem>>, vector<1x1x128xf32>
    %swap3A_473 = vector.shape_cast %swap3A_472 : vector<1x1x128xf32> to vector<1x128xf32>
    %swap3A_474 = vector.shape_cast %broadcast_in_dim3A_468 : vector<1x128xf32> to vector<1x1x128xf32>
    tpu.vector_store %arg2[%swap3A_469, %swap3A_470, %swap3A_471], %swap3A_474 {strides = array<i32>} : memref<32x1x128xf32, #tpu.memory_space<vmem>>, vector<1x1x128xf32>,
    %get3A_475 = arith.constant 0 : index
    %get3A_476 = arith.constant 2944 : index
    %get3A_477 = vector.load %arg1[%get3A_475, %get3A_476] : memref<2048x4096xbf16, #tpu.memory_space<vmem>>, vector<2048x128xbf16>
    %convert_element_type3A_478 = arith.extf %get3A_477 : vector<2048x128xbf16> to vector<2048x128xf32>
    %mul3A_479 = arith.mulf %convert_element_type3A_478, %convert_element_type3A_478 : vector<2048x128xf32>
    %reduce_sum3A_480 = arith.constant dense<0.000000e+00> : vector<2048xf32>
    %reduce_sum3A_481 = vector.multi_reduction <add>, %mul3A_479, %reduce_sum3A_480 [1] : vector<2048x128xf32> to vector<2048xf32>
    %broadcast_in_dim3A_482 = vector.shape_cast %reduce_sum3A_481 : vector<2048xf32> to vector<2048x1xf32>
    %reduce_max3A_483 = vector.shape_cast %broadcast_in_dim3A_482 : vector<2048x1xf32> to vector<1x2048x1xf32>
    %reduce_max3A_484 = arith.constant dense<0xFF800000> : vector<1xf32>
    %reduce_max3A_485 = vector.multi_reduction <maximumf>, %reduce_max3A_483, %reduce_max3A_484 [1, 2] : vector<1x2048x1xf32> to vector<1xf32>
    %reduce_max3A_486 = vector.shape_cast %reduce_max3A_485 : vector<1xf32> to vector<1x1x1xf32>
    %reduce_max3A_487 = vector.extract %reduce_max3A_486[0, 0, 0] : f32 from vector<1x1x1xf32>
    %sqrt3A_488 = math.sqrt %reduce_max3A_487 : f32
    %broadcast_in_dim3A_489 = vector.broadcast %sqrt3A_488 : f32 to vector<1x128xf32>
    %swap3A_490 = arith.constant 23 : index
    %swap3A_491 = arith.constant 0 : index
    %swap3A_492 = arith.constant 0 : index
    %swap3A_493 = vector.load %arg2[%swap3A_490, %swap3A_491, %swap3A_492] : memref<32x1x128xf32, #tpu.memory_space<vmem>>, vector<1x1x128xf32>
    %swap3A_494 = vector.shape_cast %swap3A_493 : vector<1x1x128xf32> to vector<1x128xf32>
    %swap3A_495 = vector.shape_cast %broadcast_in_dim3A_489 : vector<1x128xf32> to vector<1x1x128xf32>
    tpu.vector_store %arg2[%swap3A_490, %swap3A_491, %swap3A_492], %swap3A_495 {strides = array<i32>} : memref<32x1x128xf32, #tpu.memory_space<vmem>>, vector<1x1x128xf32>,
    %get3A_496 = arith.constant 0 : index
    %get3A_497 = arith.constant 3072 : index
    %get3A_498 = vector.load %arg1[%get3A_496, %get3A_497] : memref<2048x4096xbf16, #tpu.memory_space<vmem>>, vector<2048x128xbf16>
    %convert_element_type3A_499 = arith.extf %get3A_498 : vector<2048x128xbf16> to vector<2048x128xf32>
    %mul3A_500 = arith.mulf %convert_element_type3A_499, %convert_element_type3A_499 : vector<2048x128xf32>
    %reduce_sum3A_501 = arith.constant dense<0.000000e+00> : vector<2048xf32>
    %reduce_sum3A_502 = vector.multi_reduction <add>, %mul3A_500, %reduce_sum3A_501 [1] : vector<2048x128xf32> to vector<2048xf32>
    %broadcast_in_dim3A_503 = vector.shape_cast %reduce_sum3A_502 : vector<2048xf32> to vector<2048x1xf32>
    %reduce_max3A_504 = vector.shape_cast %broadcast_in_dim3A_503 : vector<2048x1xf32> to vector<1x2048x1xf32>
    %reduce_max3A_505 = arith.constant dense<0xFF800000> : vector<1xf32>
    %reduce_max3A_506 = vector.multi_reduction <maximumf>, %reduce_max3A_504, %reduce_max3A_505 [1, 2] : vector<1x2048x1xf32> to vector<1xf32>
    %reduce_max3A_507 = vector.shape_cast %reduce_max3A_506 : vector<1xf32> to vector<1x1x1xf32>
    %reduce_max3A_508 = vector.extract %reduce_max3A_507[0, 0, 0] : f32 from vector<1x1x1xf32>
    %sqrt3A_509 = math.sqrt %reduce_max3A_508 : f32
    %broadcast_in_dim3A_510 = vector.broadcast %sqrt3A_509 : f32 to vector<1x128xf32>
    %swap3A_511 = arith.constant 24 : index
    %swap3A_512 = arith.constant 0 : index
    %swap3A_513 = arith.constant 0 : index
    %swap3A_514 = vector.load %arg2[%swap3A_511, %swap3A_512, %swap3A_513] : memref<32x1x128xf32, #tpu.memory_space<vmem>>, vector<1x1x128xf32>
    %swap3A_515 = vector.shape_cast %swap3A_514 : vector<1x1x128xf32> to vector<1x128xf32>
    %swap3A_516 = vector.shape_cast %broadcast_in_dim3A_510 : vector<1x128xf32> to vector<1x1x128xf32>
    tpu.vector_store %arg2[%swap3A_511, %swap3A_512, %swap3A_513], %swap3A_516 {strides = array<i32>} : memref<32x1x128xf32, #tpu.memory_space<vmem>>, vector<1x1x128xf32>,
    %get3A_517 = arith.constant 0 : index
    %get3A_518 = arith.constant 3200 : index
    %get3A_519 = vector.load %arg1[%get3A_517, %get3A_518] : memref<2048x4096xbf16, #tpu.memory_space<vmem>>, vector<2048x128xbf16>
    %convert_element_type3A_520 = arith.extf %get3A_519 : vector<2048x128xbf16> to vector<2048x128xf32>
    %mul3A_521 = arith.mulf %convert_element_type3A_520, %convert_element_type3A_520 : vector<2048x128xf32>
    %reduce_sum3A_522 = arith.constant dense<0.000000e+00> : vector<2048xf32>
    %reduce_sum3A_523 = vector.multi_reduction <add>, %mul3A_521, %reduce_sum3A_522 [1] : vector<2048x128xf32> to vector<2048xf32>
    %broadcast_in_dim3A_524 = vector.shape_cast %reduce_sum3A_523 : vector<2048xf32> to vector<2048x1xf32>
    %reduce_max3A_525 = vector.shape_cast %broadcast_in_dim3A_524 : vector<2048x1xf32> to vector<1x2048x1xf32>
    %reduce_max3A_526 = arith.constant dense<0xFF800000> : vector<1xf32>
    %reduce_max3A_527 = vector.multi_reduction <maximumf>, %reduce_max3A_525, %reduce_max3A_526 [1, 2] : vector<1x2048x1xf32> to vector<1xf32>
    %reduce_max3A_528 = vector.shape_cast %reduce_max3A_527 : vector<1xf32> to vector<1x1x1xf32>
    %reduce_max3A_529 = vector.extract %reduce_max3A_528[0, 0, 0] : f32 from vector<1x1x1xf32>
    %sqrt3A_530 = math.sqrt %reduce_max3A_529 : f32
    %broadcast_in_dim3A_531 = vector.broadcast %sqrt3A_530 : f32 to vector<1x128xf32>
    %swap3A_532 = arith.constant 25 : index
    %swap3A_533 = arith.constant 0 : index
    %swap3A_534 = arith.constant 0 : index
    %swap3A_535 = vector.load %arg2[%swap3A_532, %swap3A_533, %swap3A_534] : memref<32x1x128xf32, #tpu.memory_space<vmem>>, vector<1x1x128xf32>
    %swap3A_536 = vector.shape_cast %swap3A_535 : vector<1x1x128xf32> to vector<1x128xf32>
    %swap3A_537 = vector.shape_cast %broadcast_in_dim3A_531 : vector<1x128xf32> to vector<1x1x128xf32>
    tpu.vector_store %arg2[%swap3A_532, %swap3A_533, %swap3A_534], %swap3A_537 {strides = array<i32>} : memref<32x1x128xf32, #tpu.memory_space<vmem>>, vector<1x1x128xf32>,
    %get3A_538 = arith.constant 0 : index
    %get3A_539 = arith.constant 3328 : index
    %get3A_540 = vector.load %arg1[%get3A_538, %get3A_539] : memref<2048x4096xbf16, #tpu.memory_space<vmem>>, vector<2048x128xbf16>
    %convert_element_type3A_541 = arith.extf %get3A_540 : vector<2048x128xbf16> to vector<2048x128xf32>
    %mul3A_542 = arith.mulf %convert_element_type3A_541, %convert_element_type3A_541 : vector<2048x128xf32>
    %reduce_sum3A_543 = arith.constant dense<0.000000e+00> : vector<2048xf32>
    %reduce_sum3A_544 = vector.multi_reduction <add>, %mul3A_542, %reduce_sum3A_543 [1] : vector<2048x128xf32> to vector<2048xf32>
    %broadcast_in_dim3A_545 = vector.shape_cast %reduce_sum3A_544 : vector<2048xf32> to vector<2048x1xf32>
    %reduce_max3A_546 = vector.shape_cast %broadcast_in_dim3A_545 : vector<2048x1xf32> to vector<1x2048x1xf32>
    %reduce_max3A_547 = arith.constant dense<0xFF800000> : vector<1xf32>
    %reduce_max3A_548 = vector.multi_reduction <maximumf>, %reduce_max3A_546, %reduce_max3A_547 [1, 2] : vector<1x2048x1xf32> to vector<1xf32>
    %reduce_max3A_549 = vector.shape_cast %reduce_max3A_548 : vector<1xf32> to vector<1x1x1xf32>
    %reduce_max3A_550 = vector.extract %reduce_max3A_549[0, 0, 0] : f32 from vector<1x1x1xf32>
    %sqrt3A_551 = math.sqrt %reduce_max3A_550 : f32
    %broadcast_in_dim3A_552 = vector.broadcast %sqrt3A_551 : f32 to vector<1x128xf32>
    %swap3A_553 = arith.constant 26 : index
    %swap3A_554 = arith.constant 0 : index
    %swap3A_555 = arith.constant 0 : index
    %swap3A_556 = vector.load %arg2[%swap3A_553, %swap3A_554, %swap3A_555] : memref<32x1x128xf32, #tpu.memory_space<vmem>>, vector<1x1x128xf32>
    %swap3A_557 = vector.shape_cast %swap3A_556 : vector<1x1x128xf32> to vector<1x128xf32>
    %swap3A_558 = vector.shape_cast %broadcast_in_dim3A_552 : vector<1x128xf32> to vector<1x1x128xf32>
    tpu.vector_store %arg2[%swap3A_553, %swap3A_554, %swap3A_555], %swap3A_558 {strides = array<i32>} : memref<32x1x128xf32, #tpu.memory_space<vmem>>, vector<1x1x128xf32>,
    %get3A_559 = arith.constant 0 : index
    %get3A_560 = arith.constant 3456 : index
    %get3A_561 = vector.load %arg1[%get3A_559, %get3A_560] : memref<2048x4096xbf16, #tpu.memory_space<vmem>>, vector<2048x128xbf16>
    %convert_element_type3A_562 = arith.extf %get3A_561 : vector<2048x128xbf16> to vector<2048x128xf32>
    %mul3A_563 = arith.mulf %convert_element_type3A_562, %convert_element_type3A_562 : vector<2048x128xf32>
    %reduce_sum3A_564 = arith.constant dense<0.000000e+00> : vector<2048xf32>
    %reduce_sum3A_565 = vector.multi_reduction <add>, %mul3A_563, %reduce_sum3A_564 [1] : vector<2048x128xf32> to vector<2048xf32>
    %broadcast_in_dim3A_566 = vector.shape_cast %reduce_sum3A_565 : vector<2048xf32> to vector<2048x1xf32>
    %reduce_max3A_567 = vector.shape_cast %broadcast_in_dim3A_566 : vector<2048x1xf32> to vector<1x2048x1xf32>
    %reduce_max3A_568 = arith.constant dense<0xFF800000> : vector<1xf32>
    %reduce_max3A_569 = vector.multi_reduction <maximumf>, %reduce_max3A_567, %reduce_max3A_568 [1, 2] : vector<1x2048x1xf32> to vector<1xf32>
    %reduce_max3A_570 = vector.shape_cast %reduce_max3A_569 : vector<1xf32> to vector<1x1x1xf32>
    %reduce_max3A_571 = vector.extract %reduce_max3A_570[0, 0, 0] : f32 from vector<1x1x1xf32>
    %sqrt3A_572 = math.sqrt %reduce_max3A_571 : f32
    %broadcast_in_dim3A_573 = vector.broadcast %sqrt3A_572 : f32 to vector<1x128xf32>
    %swap3A_574 = arith.constant 27 : index
    %swap3A_575 = arith.constant 0 : index
    %swap3A_576 = arith.constant 0 : index
    %swap3A_577 = vector.load %arg2[%swap3A_574, %swap3A_575, %swap3A_576] : memref<32x1x128xf32, #tpu.memory_space<vmem>>, vector<1x1x128xf32>
    %swap3A_578 = vector.shape_cast %swap3A_577 : vector<1x1x128xf32> to vector<1x128xf32>
    %swap3A_579 = vector.shape_cast %broadcast_in_dim3A_573 : vector<1x128xf32> to vector<1x1x128xf32>
    tpu.vector_store %arg2[%swap3A_574, %swap3A_575, %swap3A_576], %swap3A_579 {strides = array<i32>} : memref<32x1x128xf32, #tpu.memory_space<vmem>>, vector<1x1x128xf32>,
    %get3A_580 = arith.constant 0 : index
    %get3A_581 = arith.constant 3584 : index
    %get3A_582 = vector.load %arg1[%get3A_580, %get3A_581] : memref<2048x4096xbf16, #tpu.memory_space<vmem>>, vector<2048x128xbf16>
    %convert_element_type3A_583 = arith.extf %get3A_582 : vector<2048x128xbf16> to vector<2048x128xf32>
    %mul3A_584 = arith.mulf %convert_element_type3A_583, %convert_element_type3A_583 : vector<2048x128xf32>
    %reduce_sum3A_585 = arith.constant dense<0.000000e+00> : vector<2048xf32>
    %reduce_sum3A_586 = vector.multi_reduction <add>, %mul3A_584, %reduce_sum3A_585 [1] : vector<2048x128xf32> to vector<2048xf32>
    %broadcast_in_dim3A_587 = vector.shape_cast %reduce_sum3A_586 : vector<2048xf32> to vector<2048x1xf32>
    %reduce_max3A_588 = vector.shape_cast %broadcast_in_dim3A_587 : vector<2048x1xf32> to vector<1x2048x1xf32>
    %reduce_max3A_589 = arith.constant dense<0xFF800000> : vector<1xf32>
    %reduce_max3A_590 = vector.multi_reduction <maximumf>, %reduce_max3A_588, %reduce_max3A_589 [1, 2] : vector<1x2048x1xf32> to vector<1xf32>
    %reduce_max3A_591 = vector.shape_cast %reduce_max3A_590 : vector<1xf32> to vector<1x1x1xf32>
    %reduce_max3A_592 = vector.extract %reduce_max3A_591[0, 0, 0] : f32 from vector<1x1x1xf32>
    %sqrt3A_593 = math.sqrt %reduce_max3A_592 : f32
    %broadcast_in_dim3A_594 = vector.broadcast %sqrt3A_593 : f32 to vector<1x128xf32>
    %swap3A_595 = arith.constant 28 : index
    %swap3A_596 = arith.constant 0 : index
    %swap3A_597 = arith.constant 0 : index
    %swap3A_598 = vector.load %arg2[%swap3A_595, %swap3A_596, %swap3A_597] : memref<32x1x128xf32, #tpu.memory_space<vmem>>, vector<1x1x128xf32>
    %swap3A_599 = vector.shape_cast %swap3A_598 : vector<1x1x128xf32> to vector<1x128xf32>
    %swap3A_600 = vector.shape_cast %broadcast_in_dim3A_594 : vector<1x128xf32> to vector<1x1x128xf32>
    tpu.vector_store %arg2[%swap3A_595, %swap3A_596, %swap3A_597], %swap3A_600 {strides = array<i32>} : memref<32x1x128xf32, #tpu.memory_space<vmem>>, vector<1x1x128xf32>,
    %get3A_601 = arith.constant 0 : index
    %get3A_602 = arith.constant 3712 : index
    %get3A_603 = vector.load %arg1[%get3A_601, %get3A_602] : memref<2048x4096xbf16, #tpu.memory_space<vmem>>, vector<2048x128xbf16>
    %convert_element_type3A_604 = arith.extf %get3A_603 : vector<2048x128xbf16> to vector<2048x128xf32>
    %mul3A_605 = arith.mulf %convert_element_type3A_604, %convert_element_type3A_604 : vector<2048x128xf32>
    %reduce_sum3A_606 = arith.constant dense<0.000000e+00> : vector<2048xf32>
    %reduce_sum3A_607 = vector.multi_reduction <add>, %mul3A_605, %reduce_sum3A_606 [1] : vector<2048x128xf32> to vector<2048xf32>
    %broadcast_in_dim3A_608 = vector.shape_cast %reduce_sum3A_607 : vector<2048xf32> to vector<2048x1xf32>
    %reduce_max3A_609 = vector.shape_cast %broadcast_in_dim3A_608 : vector<2048x1xf32> to vector<1x2048x1xf32>
    %reduce_max3A_610 = arith.constant dense<0xFF800000> : vector<1xf32>
    %reduce_max3A_611 = vector.multi_reduction <maximumf>, %reduce_max3A_609, %reduce_max3A_610 [1, 2] : vector<1x2048x1xf32> to vector<1xf32>
    %reduce_max3A_612 = vector.shape_cast %reduce_max3A_611 : vector<1xf32> to vector<1x1x1xf32>
    %reduce_max3A_613 = vector.extract %reduce_max3A_612[0, 0, 0] : f32 from vector<1x1x1xf32>
    %sqrt3A_614 = math.sqrt %reduce_max3A_613 : f32
    %broadcast_in_dim3A_615 = vector.broadcast %sqrt3A_614 : f32 to vector<1x128xf32>
    %swap3A_616 = arith.constant 29 : index
    %swap3A_617 = arith.constant 0 : index
    %swap3A_618 = arith.constant 0 : index
    %swap3A_619 = vector.load %arg2[%swap3A_616, %swap3A_617, %swap3A_618] : memref<32x1x128xf32, #tpu.memory_space<vmem>>, vector<1x1x128xf32>
    %swap3A_620 = vector.shape_cast %swap3A_619 : vector<1x1x128xf32> to vector<1x128xf32>
    %swap3A_621 = vector.shape_cast %broadcast_in_dim3A_615 : vector<1x128xf32> to vector<1x1x128xf32>
    tpu.vector_store %arg2[%swap3A_616, %swap3A_617, %swap3A_618], %swap3A_621 {strides = array<i32>} : memref<32x1x128xf32, #tpu.memory_space<vmem>>, vector<1x1x128xf32>,
    %get3A_622 = arith.constant 0 : index
    %get3A_623 = arith.constant 3840 : index
    %get3A_624 = vector.load %arg1[%get3A_622, %get3A_623] : memref<2048x4096xbf16, #tpu.memory_space<vmem>>, vector<2048x128xbf16>
    %convert_element_type3A_625 = arith.extf %get3A_624 : vector<2048x128xbf16> to vector<2048x128xf32>
    %mul3A_626 = arith.mulf %convert_element_type3A_625, %convert_element_type3A_625 : vector<2048x128xf32>
    %reduce_sum3A_627 = arith.constant dense<0.000000e+00> : vector<2048xf32>
    %reduce_sum3A_628 = vector.multi_reduction <add>, %mul3A_626, %reduce_sum3A_627 [1] : vector<2048x128xf32> to vector<2048xf32>
    %broadcast_in_dim3A_629 = vector.shape_cast %reduce_sum3A_628 : vector<2048xf32> to vector<2048x1xf32>
    %reduce_max3A_630 = vector.shape_cast %broadcast_in_dim3A_629 : vector<2048x1xf32> to vector<1x2048x1xf32>
    %reduce_max3A_631 = arith.constant dense<0xFF800000> : vector<1xf32>
    %reduce_max3A_632 = vector.multi_reduction <maximumf>, %reduce_max3A_630, %reduce_max3A_631 [1, 2] : vector<1x2048x1xf32> to vector<1xf32>
    %reduce_max3A_633 = vector.shape_cast %reduce_max3A_632 : vector<1xf32> to vector<1x1x1xf32>
    %reduce_max3A_634 = vector.extract %reduce_max3A_633[0, 0, 0] : f32 from vector<1x1x1xf32>
    %sqrt3A_635 = math.sqrt %reduce_max3A_634 : f32
    %broadcast_in_dim3A_636 = vector.broadcast %sqrt3A_635 : f32 to vector<1x128xf32>
    %swap3A_637 = arith.constant 30 : index
    %swap3A_638 = arith.constant 0 : index
    %swap3A_639 = arith.constant 0 : index
    %swap3A_640 = vector.load %arg2[%swap3A_637, %swap3A_638, %swap3A_639] : memref<32x1x128xf32, #tpu.memory_space<vmem>>, vector<1x1x128xf32>
    %swap3A_641 = vector.shape_cast %swap3A_640 : vector<1x1x128xf32> to vector<1x128xf32>
    %swap3A_642 = vector.shape_cast %broadcast_in_dim3A_636 : vector<1x128xf32> to vector<1x1x128xf32>
    tpu.vector_store %arg2[%swap3A_637, %swap3A_638, %swap3A_639], %swap3A_642 {strides = array<i32>} : memref<32x1x128xf32, #tpu.memory_space<vmem>>, vector<1x1x128xf32>,
    %get3A_643 = arith.constant 0 : index
    %get3A_644 = arith.constant 3968 : index
    %get3A_645 = vector.load %arg1[%get3A_643, %get3A_644] : memref<2048x4096xbf16, #tpu.memory_space<vmem>>, vector<2048x128xbf16>
    %convert_element_type3A_646 = arith.extf %get3A_645 : vector<2048x128xbf16> to vector<2048x128xf32>
    %mul3A_647 = arith.mulf %convert_element_type3A_646, %convert_element_type3A_646 : vector<2048x128xf32>
    %reduce_sum3A_648 = arith.constant dense<0.000000e+00> : vector<2048xf32>
    %reduce_sum3A_649 = vector.multi_reduction <add>, %mul3A_647, %reduce_sum3A_648 [1] : vector<2048x128xf32> to vector<2048xf32>
    %broadcast_in_dim3A_650 = vector.shape_cast %reduce_sum3A_649 : vector<2048xf32> to vector<2048x1xf32>
    %reduce_max3A_651 = vector.shape_cast %broadcast_in_dim3A_650 : vector<2048x1xf32> to vector<1x2048x1xf32>
    %reduce_max3A_652 = arith.constant dense<0xFF800000> : vector<1xf32>
    %reduce_max3A_653 = vector.multi_reduction <maximumf>, %reduce_max3A_651, %reduce_max3A_652 [1, 2] : vector<1x2048x1xf32> to vector<1xf32>
    %reduce_max3A_654 = vector.shape_cast %reduce_max3A_653 : vector<1xf32> to vector<1x1x1xf32>
    %reduce_max3A_655 = vector.extract %reduce_max3A_654[0, 0, 0] : f32 from vector<1x1x1xf32>
    %sqrt3A_656 = math.sqrt %reduce_max3A_655 : f32
    %broadcast_in_dim3A_657 = vector.broadcast %sqrt3A_656 : f32 to vector<1x128xf32>
    %swap3A_658 = arith.constant 31 : index
    %swap3A_659 = arith.constant 0 : index
    %swap3A_660 = arith.constant 0 : index
    %swap3A_661 = vector.load %arg2[%swap3A_658, %swap3A_659, %swap3A_660] : memref<32x1x128xf32, #tpu.memory_space<vmem>>, vector<1x1x128xf32>
    %swap3A_662 = vector.shape_cast %swap3A_661 : vector<1x1x128xf32> to vector<1x128xf32>
    %swap3A_663 = vector.shape_cast %broadcast_in_dim3A_657 : vector<1x128xf32> to vector<1x1x128xf32>
    tpu.vector_store %arg2[%swap3A_658, %swap3A_659, %swap3A_660], %swap3A_663 {strides = array<i32>} : memref<32x1x128xf32, #tpu.memory_space<vmem>>, vector<1x1x128xf32>,
    return
  }
  func.func @transform_0(%arg0: i32) -> (i32, i32) {
    %c0_i32 = arith.constant 0 : i32
    %c1_i32 = arith.constant 1 : i32
    %c0_i32_0 = arith.constant 0 : i32
    return %c0_i32, %c1_i32 : i32, i32
  }
  func.func @transform_1(%arg0: i32) -> (i32, i32, i32) {
    %c0_i32 = arith.constant 0 : i32
    %c0_i32_0 = arith.constant 0 : i32
    %c0_i32_1 = arith.constant 0 : i32
    %c0_i32_2 = arith.constant 0 : i32
    return %c0_i32, %c0_i32_0, %c0_i32_1 : i32, i32, i32
  }
}

module attributes {stable_mosaic.version = 14 : i64} {
  func.func @_flash_body(%arg0: i32, %arg1: i32, %arg2: i32, %arg3: memref<1024x128xbf16, #tpu.memory_space<vmem>>, %arg4: memref<1024x128xbf16, #tpu.memory_space<vmem>>, %arg5: memref<1024x128xbf16, #tpu.memory_space<vmem>>, %arg6: memref<1x1x128xf32, #tpu.memory_space<vmem>>, %arg7: memref<1024x1024xbf16, #tpu.memory_space<vmem>>, %arg8: memref<1024x128xbf16, #tpu.memory_space<vmem>>, %arg9: memref<1024x256xf32, #tpu.memory_space<vmem>>, %arg10: memref<1024x128xf32, #tpu.memory_space<vmem>>) attributes {dimension_semantics = [#tpu.dimension_semantics<parallel>, #tpu.dimension_semantics<parallel>, #tpu.dimension_semantics<arbitrary>], iteration_bounds = array<i64: 32, 2, 2>, scalar_prefetch = 0 : i64, scratch_operands = 2 : i64, tpu.core_type = #tpu.core_type<tc>, window_params = [{transform_indices = @transform_0, window_bounds = array<i64: 1024, 128>}, {transform_indices = @transform_1, window_bounds = array<i64: 1024, 128>}, {transform_indices = @transform_2, window_bounds = array<i64: 1024, 128>}, {transform_indices = @transform_3, window_bounds = array<i64: 1, 1, 128>}, {pipeline_mode = #tpu.pipeline_mode<synchronous>, transform_indices = @transform_4, window_bounds = array<i64: 1024, 1024>}, {transform_indices = @transform_5, window_bounds = array<i64: 1024, 128>}]} {
    %eq3A = arith.constant 0 : i32
    %eq3A_0 = arith.cmpi eq, %arg2, %eq3A : i32
    %convert_element_type3A = arith.extui %eq3A_0 : i1 to i32
    %cond3A = arith.constant 0 : i32
    %cond3A_1 = arith.cmpi ne, %convert_element_type3A, %cond3A : i32
    scf.if %cond3A_1 {
      %get3A = arith.constant 0 : index
      %get3A_13 = arith.constant 0 : index
      %get3A_14 = vector.load %arg3[%get3A, %get3A_13] : memref<1024x128xbf16, #tpu.memory_space<vmem>>, vector<1024x128xbf16>
      %convert_element_type3A_15 = arith.extf %get3A_14 : vector<1024x128xbf16> to vector<1024x128xf32>
      %mul3A = arith.mulf %convert_element_type3A_15, %convert_element_type3A_15 : vector<1024x128xf32>
      %reduce_sum3A = arith.constant dense<0.000000e+00> : vector<1024xf32>
      %reduce_sum3A_16 = vector.multi_reduction <add>, %mul3A, %reduce_sum3A [1] : vector<1024x128xf32> to vector<1024xf32>
      %broadcast_in_dim3A = vector.shape_cast %reduce_sum3A_16 : vector<1024xf32> to vector<1024x1xf32>
      %sqrt3A = math.sqrt %broadcast_in_dim3A : vector<1024x1xf32>
      %get3A_17 = arith.constant 0 : index
      %get3A_18 = arith.constant 0 : index
      %get3A_19 = arith.constant 0 : index
      %get3A_20 = vector.load %arg6[%get3A_17, %get3A_18, %get3A_19] : memref<1x1x128xf32, #tpu.memory_space<vmem>>, vector<1x1x128xf32>
      %slice3A = vector.extract_strided_slice %get3A_20 {offsets = [0, 0, 0], sizes = [1, 1, 1], strides = [1, 1, 1]} : vector<1x1x128xf32> to vector<1x1x1xf32>
      %squeeze3A = vector.shape_cast %slice3A : vector<1x1x1xf32> to vector<1x1xf32>
      %mul3A_21 = vector.broadcast %squeeze3A : vector<1x1xf32> to vector<1024x1xf32>
      %mul3A_22 = arith.mulf %sqrt3A, %mul3A_21 : vector<1024x1xf32>
      %broadcast_in_dim3A_23 = vector.shape_cast %mul3A_22 : vector<1024x1xf32> to vector<1024x1xf32>
      %broadcast_in_dim3A_24 = vector.broadcast %broadcast_in_dim3A_23 : vector<1024x1xf32> to vector<1024x128xf32>
      %swap3A = arith.constant 0 : index
      %swap3A_25 = arith.constant 0 : index
      %swap3A_26 = vector.load %arg10[%swap3A, %swap3A_25] : memref<1024x128xf32, #tpu.memory_space<vmem>>, vector<1024x128xf32>
      tpu.vector_store %arg10[%swap3A, %swap3A_25], %broadcast_in_dim3A_24 {strides = array<i32>} : memref<1024x128xf32, #tpu.memory_space<vmem>>, vector<1024x128xf32>,
      %broadcast_in_dim3A_27 = arith.constant 0.000000e+00 : f32
      %broadcast_in_dim3A_28 = vector.broadcast %broadcast_in_dim3A_27 : f32 to vector<1024x256xf32>
      %swap3A_29 = arith.constant 0 : index
      %swap3A_30 = arith.constant 0 : index
      %swap3A_31 = vector.load %arg9[%swap3A_29, %swap3A_30] : memref<1024x256xf32, #tpu.memory_space<vmem>>, vector<1024x256xf32>
      tpu.vector_store %arg9[%swap3A_29, %swap3A_30], %broadcast_in_dim3A_28 {strides = array<i32>} : memref<1024x256xf32, #tpu.memory_space<vmem>>, vector<1024x256xf32>,
    } else {
    }
    %lt3A = arith.cmpi slt, %arg2, %arg1 : i32
    %convert_element_type3A_2 = arith.extui %lt3A : i1 to i32
    %cond3A_3 = arith.constant 0 : i32
    %cond3A_4 = arith.cmpi ne, %convert_element_type3A_2, %cond3A_3 : i32
    scf.if %cond3A_4 {
      %get3A = arith.constant 0 : index
      %get3A_13 = arith.constant 0 : index
      %get3A_14 = vector.load %arg3[%get3A, %get3A_13] : memref<1024x128xbf16, #tpu.memory_space<vmem>>, vector<1024x128xbf16>
      %get3A_15 = arith.constant 0 : index
      %get3A_16 = arith.constant 0 : index
      %get3A_17 = vector.load %arg4[%get3A_15, %get3A_16] : memref<1024x128xbf16, #tpu.memory_space<vmem>>, vector<1024x128xbf16>
      %dot_general3A = arith.constant dense<0.000000e+00> : vector<1024x1024xf32>
      %dot_general3A_18 = tpu.matmul %get3A_14, %get3A_17, %dot_general3A {dimension_numbers = #tpu.dot_dimension_numbers<[1], [1], [0], [0], [0, 0, 1, 0], [], []>, transpose_lhs_hint = false} : vector<1024x128xbf16>, vector<1024x128xbf16>, vector<1024x1024xf32> -> vector<1024x1024xf32>
      %get3A_19 = arith.constant 0 : index
      %get3A_20 = arith.constant 0 : index
      %get3A_21 = vector.load %arg10[%get3A_19, %get3A_20] : memref<1024x128xf32, #tpu.memory_space<vmem>>, vector<1024x128xf32>
      %slice3A = vector.extract_strided_slice %get3A_21 {offsets = [0, 0], sizes = [1024, 1], strides = [1, 1]} : vector<1024x128xf32> to vector<1024x1xf32>
      %sub3A = vector.broadcast %slice3A : vector<1024x1xf32> to vector<1024x1024xf32>
      %sub3A_22 = arith.subf %dot_general3A_18, %sub3A : vector<1024x1024xf32>
      %exp3A = math.exp %sub3A_22 : vector<1024x1024xf32>
      %convert_element_type3A_23 = arith.truncf %exp3A : vector<1024x1024xf32> to vector<1024x1024xbf16>
      %get3A_24 = arith.constant 0 : index
      %get3A_25 = arith.constant 0 : index
      %get3A_26 = vector.load %arg5[%get3A_24, %get3A_25] : memref<1024x128xbf16, #tpu.memory_space<vmem>>, vector<1024x128xbf16>
      %broadcast_in_dim3A = arith.constant 1.000000e+00 : bf16
      %broadcast_in_dim3A_27 = vector.broadcast %broadcast_in_dim3A : bf16 to vector<1024x128xbf16>
      %concatenate3A = tpu.concatenate %get3A_26, %broadcast_in_dim3A_27 in 1 : vector<1024x128xbf16>, vector<1024x128xbf16> -> vector<1024x256xbf16>
      %dot_general3A_28 = arith.constant dense<0.000000e+00> : vector<1024x256xf32>
      %dot_general3A_29 = tpu.matmul %convert_element_type3A_23, %concatenate3A, %dot_general3A_28 {dimension_numbers = #tpu.dot_dimension_numbers<[1], [0], [0], [1], [0, 0, 1, 1], [], []>, transpose_lhs_hint = false} : vector<1024x1024xbf16>, vector<1024x256xbf16>, vector<1024x256xf32> -> vector<1024x256xf32>
      %get3A_30 = arith.constant 0 : index
      %get3A_31 = arith.constant 0 : index
      %get3A_32 = vector.load %arg9[%get3A_30, %get3A_31] : memref<1024x256xf32, #tpu.memory_space<vmem>>, vector<1024x256xf32>
      %add3A = arith.addf %get3A_32, %dot_general3A_29 : vector<1024x256xf32>
      %swap3A = arith.constant 0 : index
      %swap3A_33 = arith.constant 0 : index
      %swap3A_34 = vector.load %arg9[%swap3A, %swap3A_33] : memref<1024x256xf32, #tpu.memory_space<vmem>>, vector<1024x256xf32>
      tpu.vector_store %arg9[%swap3A, %swap3A_33], %add3A {strides = array<i32>} : memref<1024x256xf32, #tpu.memory_space<vmem>>, vector<1024x256xf32>,
    } else {
    }
    %eq3A_5 = arith.cmpi eq, %arg2, %arg1 : i32
    %convert_element_type3A_6 = arith.extui %eq3A_5 : i1 to i32
    %cond3A_7 = arith.constant 0 : i32
    %cond3A_8 = arith.cmpi ne, %convert_element_type3A_6, %cond3A_7 : i32
    scf.if %cond3A_8 {
      %get3A = arith.constant 0 : index
      %get3A_13 = arith.constant 0 : index
      %get3A_14 = vector.load %arg3[%get3A, %get3A_13] : memref<1024x128xbf16, #tpu.memory_space<vmem>>, vector<1024x128xbf16>
      %get3A_15 = arith.constant 0 : index
      %get3A_16 = arith.constant 0 : index
      %get3A_17 = vector.load %arg4[%get3A_15, %get3A_16] : memref<1024x128xbf16, #tpu.memory_space<vmem>>, vector<1024x128xbf16>
      %dot_general3A = arith.constant dense<0.000000e+00> : vector<1024x1024xf32>
      %dot_general3A_18 = tpu.matmul %get3A_14, %get3A_17, %dot_general3A {dimension_numbers = #tpu.dot_dimension_numbers<[1], [1], [0], [0], [0, 0, 1, 0], [], []>, transpose_lhs_hint = false} : vector<1024x128xbf16>, vector<1024x128xbf16>, vector<1024x1024xf32> -> vector<1024x1024xf32>
      %get3A_19 = arith.constant 0 : index
      %get3A_20 = arith.constant 0 : index
      %get3A_21 = vector.load %arg10[%get3A_19, %get3A_20] : memref<1024x128xf32, #tpu.memory_space<vmem>>, vector<1024x128xf32>
      %slice3A = vector.extract_strided_slice %get3A_21 {offsets = [0, 0], sizes = [1024, 1], strides = [1, 1]} : vector<1024x128xf32> to vector<1024x1xf32>
      %sub3A = vector.broadcast %slice3A : vector<1024x1xf32> to vector<1024x1024xf32>
      %sub3A_22 = arith.subf %dot_general3A_18, %sub3A : vector<1024x1024xf32>
      %exp3A = math.exp %sub3A_22 : vector<1024x1024xf32>
      %convert_element_type3A_23 = arith.truncf %exp3A : vector<1024x1024xf32> to vector<1024x1024xbf16>
      %get3A_24 = arith.constant 0 : index
      %get3A_25 = arith.constant 0 : index
      %get3A_26 = vector.load %arg7[%get3A_24, %get3A_25] : memref<1024x1024xbf16, #tpu.memory_space<vmem>>, vector<1024x1024xbf16>
      %mul3A = arith.mulf %convert_element_type3A_23, %get3A_26 : vector<1024x1024xbf16>
      %get3A_27 = arith.constant 0 : index
      %get3A_28 = arith.constant 0 : index
      %get3A_29 = vector.load %arg5[%get3A_27, %get3A_28] : memref<1024x128xbf16, #tpu.memory_space<vmem>>, vector<1024x128xbf16>
      %broadcast_in_dim3A = arith.constant 1.000000e+00 : bf16
      %broadcast_in_dim3A_30 = vector.broadcast %broadcast_in_dim3A : bf16 to vector<1024x128xbf16>
      %concatenate3A = tpu.concatenate %get3A_29, %broadcast_in_dim3A_30 in 1 : vector<1024x128xbf16>, vector<1024x128xbf16> -> vector<1024x256xbf16>
      %dot_general3A_31 = arith.constant dense<0.000000e+00> : vector<1024x256xf32>
      %dot_general3A_32 = tpu.matmul %mul3A, %concatenate3A, %dot_general3A_31 {dimension_numbers = #tpu.dot_dimension_numbers<[1], [0], [0], [1], [0, 0, 1, 1], [], []>, transpose_lhs_hint = false} : vector<1024x1024xbf16>, vector<1024x256xbf16>, vector<1024x256xf32> -> vector<1024x256xf32>
      %get3A_33 = arith.constant 0 : index
      %get3A_34 = arith.constant 0 : index
      %get3A_35 = vector.load %arg9[%get3A_33, %get3A_34] : memref<1024x256xf32, #tpu.memory_space<vmem>>, vector<1024x256xf32>
      %add3A = arith.addf %get3A_35, %dot_general3A_32 : vector<1024x256xf32>
      %swap3A = arith.constant 0 : index
      %swap3A_36 = arith.constant 0 : index
      %swap3A_37 = vector.load %arg9[%swap3A, %swap3A_36] : memref<1024x256xf32, #tpu.memory_space<vmem>>, vector<1024x256xf32>
      tpu.vector_store %arg9[%swap3A, %swap3A_36], %add3A {strides = array<i32>} : memref<1024x256xf32, #tpu.memory_space<vmem>>, vector<1024x256xf32>,
    } else {
    }
    %eq3A_9 = arith.cmpi eq, %arg2, %arg1 : i32
    %convert_element_type3A_10 = arith.extui %eq3A_9 : i1 to i32
    %cond3A_11 = arith.constant 0 : i32
    %cond3A_12 = arith.cmpi ne, %convert_element_type3A_10, %cond3A_11 : i32
    scf.if %cond3A_12 {
      %get3A = arith.constant 0 : index
      %get3A_13 = arith.constant 0 : index
      %get3A_14 = vector.load %arg9[%get3A, %get3A_13] : memref<1024x256xf32, #tpu.memory_space<vmem>>, vector<1024x256xf32>
      %slice3A = vector.extract_strided_slice %get3A_14 {offsets = [0, 0], sizes = [1024, 128], strides = [1, 1]} : vector<1024x256xf32> to vector<1024x128xf32>
      %slice3A_15 = vector.extract_strided_slice %get3A_14 {offsets = [0, 128], sizes = [1024, 1], strides = [1, 1]} : vector<1024x256xf32> to vector<1024x1xf32>
      %div3A = vector.broadcast %slice3A_15 : vector<1024x1xf32> to vector<1024x128xf32>
      %div3A_16 = arith.divf %slice3A, %div3A : vector<1024x128xf32>
      %convert_element_type3A_17 = arith.truncf %div3A_16 : vector<1024x128xf32> to vector<1024x128xbf16>
      %swap3A = arith.constant 0 : index
      %swap3A_18 = arith.constant 0 : index
      %swap3A_19 = vector.load %arg8[%swap3A, %swap3A_18] : memref<1024x128xbf16, #tpu.memory_space<vmem>>, vector<1024x128xbf16>
      tpu.vector_store %arg8[%swap3A, %swap3A_18], %convert_element_type3A_17 {strides = array<i32>} : memref<1024x128xbf16, #tpu.memory_space<vmem>>, vector<1024x128xbf16>,
    } else {
    }
    return
  }
  func.func @transform_0(%arg0: i32, %arg1: i32, %arg2: i32) -> (i32, i32) {
    %c0_i32 = arith.constant 0 : i32
    return %arg1, %arg0 : i32, i32
  }
  func.func @transform_1(%arg0: i32, %arg1: i32, %arg2: i32) -> (i32, i32) {
    %min3A = arith.minsi %arg2, %arg1 : i32
    %add3A = arith.constant 32 : i32
    %add3A_0 = arith.addi %add3A, %arg0 : i32
    %c0_i32 = arith.constant 0 : i32
    return %min3A, %add3A_0 : i32, i32
  }
  func.func @transform_2(%arg0: i32, %arg1: i32, %arg2: i32) -> (i32, i32) {
    %min3A = arith.minsi %arg2, %arg1 : i32
    %add3A = arith.constant 64 : i32
    %add3A_0 = arith.addi %add3A, %arg0 : i32
    %c0_i32 = arith.constant 0 : i32
    return %min3A, %add3A_0 : i32, i32
  }
  func.func @transform_3(%arg0: i32, %arg1: i32, %arg2: i32) -> (i32, i32, i32) {
    %c0_i32 = arith.constant 0 : i32
    %c0_i32_0 = arith.constant 0 : i32
    %c0_i32_1 = arith.constant 0 : i32
    return %arg0, %c0_i32, %c0_i32_0 : i32, i32, i32
  }
  func.func @transform_4(%arg0: i32, %arg1: i32, %arg2: i32) -> (i32, i32) {
    %c0_i32 = arith.constant 0 : i32
    %c0_i32_0 = arith.constant 0 : i32
    %c0_i32_1 = arith.constant 0 : i32
    return %c0_i32, %c0_i32_0 : i32, i32
  }
  func.func @transform_5(%arg0: i32, %arg1: i32, %arg2: i32) -> (i32, i32) {
    %c0_i32 = arith.constant 0 : i32
    return %arg1, %arg0 : i32, i32
  }
}

module attributes {stable_mosaic.version = 14 : i64} {
  func.func @_matmul_body(%arg0: i32, %arg1: i32, %arg2: memref<1024x4096xbf16, #tpu.memory_space<vmem>>, %arg3: memref<1024x4096xbf16, #tpu.memory_space<vmem>>, %arg4: memref<1024x1024xf32, #tpu.memory_space<vmem>>) attributes {dimension_semantics = [#tpu.dimension_semantics<parallel>, #tpu.dimension_semantics<parallel>], iteration_bounds = array<i64: 2, 4>, scalar_prefetch = 0 : i64, scratch_operands = 0 : i64, tpu.core_type = #tpu.core_type<tc>, window_params = [{transform_indices = @transform_0, window_bounds = array<i64: 1024, 4096>}, {transform_indices = @transform_1, window_bounds = array<i64: 1024, 4096>}, {transform_indices = @transform_2, window_bounds = array<i64: 1024, 1024>}]} {
    %get3A = arith.constant 0 : index
    %get3A_0 = arith.constant 0 : index
    %get3A_1 = vector.load %arg2[%get3A, %get3A_0] : memref<1024x4096xbf16, #tpu.memory_space<vmem>>, vector<1024x4096xbf16>
    %get3A_2 = arith.constant 0 : index
    %get3A_3 = arith.constant 0 : index
    %get3A_4 = vector.load %arg3[%get3A_2, %get3A_3] : memref<1024x4096xbf16, #tpu.memory_space<vmem>>, vector<1024x4096xbf16>
    %dot_general3A = arith.constant dense<0.000000e+00> : vector<1024x1024xf32>
    %dot_general3A_5 = tpu.matmul %get3A_1, %get3A_4, %dot_general3A {dimension_numbers = #tpu.dot_dimension_numbers<[1], [1], [0], [0], [0, 0, 1, 0], [], []>, transpose_lhs_hint = false} : vector<1024x4096xbf16>, vector<1024x4096xbf16>, vector<1024x1024xf32> -> vector<1024x1024xf32>
    %swap3A = arith.constant 0 : index
    %swap3A_6 = arith.constant 0 : index
    %swap3A_7 = vector.load %arg4[%swap3A, %swap3A_6] : memref<1024x1024xf32, #tpu.memory_space<vmem>>, vector<1024x1024xf32>
    tpu.vector_store %arg4[%swap3A, %swap3A_6], %dot_general3A_5 {strides = array<i32>} : memref<1024x1024xf32, #tpu.memory_space<vmem>>, vector<1024x1024xf32>,
    return
  }
  func.func @transform_0(%arg0: i32, %arg1: i32) -> (i32, i32) {
    %c0_i32 = arith.constant 0 : i32
    %c0_i32_0 = arith.constant 0 : i32
    return %arg0, %c0_i32 : i32, i32
  }
  func.func @transform_1(%arg0: i32, %arg1: i32) -> (i32, i32) {
    %c0_i32 = arith.constant 0 : i32
    %c0_i32_0 = arith.constant 0 : i32
    return %arg1, %c0_i32 : i32, i32
  }
  func.func @transform_2(%arg0: i32, %arg1: i32) -> (i32, i32) {
    %c0_i32 = arith.constant 0 : i32
    return %arg0, %arg1 : i32, i32
  }
}

</mosaic_0001>

<sc_bundles>
// kernel: gather_offload_async_start
scs
__scs_entry_jumppad:
0x0: {  	(pc) =	sbr.rel $0x88, $3  }
0x1: {  	(tag) =	ssettag $0x0;
	lr =	simm.s32 $0x1  }
0x2: {  	[smem:$0x3F9D] =	sst lr;
	_ =	strace $0xD0000000  }
0x3: {  	_ = 	snop  }
0x4: {  	_ = 	snop  }
0x5: {  	_ = 	snop  }
0x6: {  	_ = 	snop  }
0x7: {  	_ = 	snop  }
__scs_overlays_trampoline_lowered:
0x8: {  	[smem:$0x3FAC] =	sst s0  }
0x9: {  	[smem:$0x3FAD] =	sst s1  }
0xa: {  	[smem:$0x3FAE] =	sst s2  }
0xb: {  	[smem:$0x3FAF] =	sst s3  }
0xc: {  	[smem:$0x3FB0] =	sst s4  }
0xd: {  	[smem:$0x3FB1] =	sst s5  }
0xe: {  	[smem:$0x3FB2] =	sst s6  }
0xf: {  	[smem:$0x3FB3] =	sst s7  }
0x10: {  	[smem:$0x3FB4] =	sst s8  }
0x11: {  	[smem:$0x3FB5] =	sst s9;
	s0 =	simm.s32 @!p0 $0x0  }
0x12: {  	s1 =	sld [smem:$0x3F9B];
	s0 =	simm.s32 @p0 $0x1  }
0x13: {  	[smem:$0x3FB6] =	sst s0;
	s0 =	simm.s32 @!p1 $0x0  }
0x14: {  	s2 =	sld [smem:$0x3F9A];
	s0 =	simm.s32 @p1 $0x1  }
0x15: {  	[smem:$0x3FB7] =	sst s0;
	s0 =	simm.s32 @!p2 $0x0  }
0x16: {  	s3 =	sld [smem:$0x3FDB];
	s0 =	simm.s32 @p2 $0x1  }
0x17: {  	s4 =	simm.s32 $0x1BF5;
	[smem:$0x3FB9] =	sst s0  }
0x18: {  	s0 =	sld [smem:$0x3F9C];
	_ =	swait.ge [sflag:s4], $0x0  }
0x19: {  	s7 =	sld [smem:$0x3F9D]  }
0x1a: {  	s8 =	sadd.s32 $0xFFFFE003, lr  }
0x1b: {  	s9 =	sadd.s32 $0xFFFFFEF7, lr;
	s5 =	simm.s32 $0xFFFFFFFF;
	p2 =	slt.u32 s8, $0xFFFFF086  }
0x1c: {  	p1 =	slt.u32 s9, $0xF7A;
	s5 =	simm.s32 @!p2 $0x0  }
0x1d: {  	s5 =	simm.s32 @p1 $0x1;
	p0 =	seq.s32 s7, s2  }
0x1e: {  	s7 =	smul.u32 @!p0 $0xF7A, s2;
	p2 =	seq.s32 @!p0 s5, $0x0  }
0x1f: {  	s9 =	smul.u32 $0xF7A, s1;
	s8 =	simm.s32 @!p0 $0x1BF5;
	p2 =	por !p2, p0  }
0x20: {  	[sflag:s8] =	ssyncset.s32 @!p0 $0xFFFFF086;
	s6 =	sadd.s32 @!p0 s3, s7;
	s7 =	simm.s32 @!p0 $0x108  }
0x21: {  	s3 =	sadd.s32 s3, s9;
	s6 =	sadd.s32 @!p0 $0x88, s6;
	s7 =	simm.s32 @p2 $0x1082  }
0x22: {  	[simem:s7], [sflag:s8] =	dma.local @!p0 [hbm:s6], $0xF7A  }
0x23: {  	s9 =	sor.u32 $0xD0000000, s2;
	s6 =	simm.s32 $0x108;
	_ =	swait.ge @!p0 [sflag:s8], $0x0  }
0x24: {  	s3 =	sadd.s32 $0x88, s3;
	s6 =	simm.s32 @!p1 $0x1082;
	[sflag:s4] =	ssyncset.s32 $0xFFFFF086  }
0x25: {  	[simem:s6], [sflag:s4] =	dma.local [hbm:s3], $0xF7A  }
0x26: {  	[smem:$0x3F9D] =	sst s1;
	(tag) =	ssettag s2;
	_ =	strace s9  }
0x27: {  	s1 =	sld [smem:$0x3FAD]  }
0x28: {  	s2 =	sld [smem:$0x3FAE]  }
0x29: {  	s4 =	sld [smem:$0x3FB0]  }
0x2a: {  	p0 =	seq.s32 s5, $0x0;
	s5 =	sld [smem:$0x3FB1]  }
0x2b: {  	s6 =	sld [smem:$0x3FB2]  }
0x2c: {  	s7 =	sld [smem:$0x3FB3]  }
0x2d: {  	s3 =	simm.s32 $0x108;
	s8 =	sld [smem:$0x3FB4]  }
0x2e: {  	s3 =	simm.s32 @!p0 $0x1082;
	s9 =	sld [smem:$0x3FB5]  }
0x2f: {  	lr =	sadd.s32 s0, s3;
	s0 =	sld [smem:$0x3FAC]  }
0x30: {  	s3 =	sld [smem:$0x3FAF]  }
0x31: {  	[smem:$0x3FB8] =	sst s10  }
0x32: {  	s10 =	sld [smem:$0x3FB6];
	_ =	sdelay $0x3  }
0x33: {  	p0 =	seq.s32 s10, $0x1;
	s10 =	sld [smem:$0x3FB8];
	_ =	sdelay $0x3  }
0x34: {  	[smem:$0x3FB8] =	sst s10  }
0x35: {  	s10 =	sld [smem:$0x3FB7];
	_ =	sdelay $0x3  }
0x36: {  	p1 =	seq.s32 s10, $0x1;
	s10 =	sld [smem:$0x3FB8];
	_ =	sdelay $0x3  }
0x37: {  	[smem:$0x3FB8] =	sst s10  }
0x38: {  	s10 =	sld [smem:$0x3FB9]  }
0x39: {  	_ = 	snop;
	(pc) =	sbr.ind lr, $3  }
0x3a: {  	_ = 	snop  }
0x3b: {  	_ = 	snop  }
0x3c: {  	p2 =	seq.s32 s10, $0x1;
	s10 =	sld [smem:$0x3FB8]  }
0x3d: {  	_ =	shalt  }
0x3e: {  	_ =	shalt  }
0x3f: {  	_ =	shalt  }
0x40: {  	_ =	shalt  }
0x41: {  	_ =	shalt  }
0x42: {  	_ =	shalt  }
0x43: {  	_ =	shalt  }
0x44: {  	_ =	shalt  }
0x45: {  	_ =	shalt  }
0x46: {  	_ =	shalt  }
0x47: {  	_ =	shalt  }
0x48: {  	_ =	shalt  }
0x49: {  	_ =	shalt  }
0x4a: {  	_ =	shalt  }
0x4b: {  	_ =	shalt  }
0x4c: {  	_ =	shalt  }
0x4d: {  	_ =	shalt  }
0x4e: {  	_ =	shalt  }
0x4f: {  	_ =	shalt  }
0x50: {  	_ =	shalt  }
0x51: {  	_ =	shalt  }
0x52: {  	_ =	shalt  }
0x53: {  	_ =	shalt  }
0x54: {  	_ =	shalt  }
0x55: {  	_ =	shalt  }
0x56: {  	_ =	shalt  }
0x57: {  	_ =	shalt  }
0x58: {  	_ =	shalt  }
0x59: {  	_ =	shalt  }
0x5a: {  	_ =	shalt  }
0x5b: {  	_ =	shalt  }
0x5c: {  	_ =	shalt  }
0x5d: {  	_ =	shalt  }
0x5e: {  	_ =	shalt  }
0x5f: {  	_ =	shalt  }
0x60: {  	_ =	shalt  }
0x61: {  	_ =	shalt  }
0x62: {  	_ =	shalt  }
0x63: {  	_ =	shalt  }
0x64: {  	_ =	shalt  }
0x65: {  	_ =	shalt  }
0x66: {  	_ =	shalt  }
0x67: {  	_ =	shalt  }
0x68: {  	_ =	shalt  }
0x69: {  	_ =	shalt  }
0x6a: {  	_ =	shalt  }
0x6b: {  	_ =	shalt  }
0x6c: {  	_ =	shalt  }
0x6d: {  	_ =	shalt  }
0x6e: {  	_ =	shalt  }
0x6f: {  	_ =	shalt  }
0x70: {  	_ =	shalt  }
0x71: {  	_ =	shalt  }
0x72: {  	_ =	shalt  }
0x73: {  	_ =	shalt  }
0x74: {  	_ =	shalt  }
0x75: {  	_ =	shalt  }
0x76: {  	_ =	shalt  }
0x77: {  	_ =	shalt  }
0x78: {  	_ =	shalt  }
0x79: {  	_ =	shalt  }
0x7a: {  	_ =	shalt  }
0x7b: {  	_ =	shalt  }
0x7c: {  	_ =	shalt  }
0x7d: {  	_ =	shalt  }
0x7e: {  	_ =	shalt  }
0x7f: {  	_ =	shalt  }
0x80: {  	_ =	shalt  }
0x81: {  	_ =	shalt  }
0x82: {  	_ =	shalt  }
0x83: {  	_ =	shalt  }
0x84: {  	_ =	shalt  }
0x85: {  	_ =	shalt  }
0x86: {  	_ =	shalt  }
0x87: {  	_ =	shalt  }
.Lfunc_end0:
.L_simem_size_0:
called_computation_lowered:
.L_overlay_start_0:
0x88: {  	s2 =	sld [smem:$0x3FD9]  }
0x89: {  	s3 =	sld [smem:$0x3FFE];
	_ =	sdelay $0x1  }
0x8a: {  	s1 =	srdreg.scid  }
0x8b: {  	s0 =	sand.u32 $0x1, s1  }
0x8c: {  	s17 =	sshll.u32 s0, $0xA;
	s2 =	sadd.s32 s3, s2  }
0x8d: {  	s2 =	sadd.s32 s2, s17  }
0x8e: {  	[smem:$0x3FC4] =	sst s2  }
0x8f: {  	_ = 	snop  }
0x90: {  	s2 =	sld [smem:$0x3FC7];
	(tm) =	ssettm $0x1  }
0x91: {  	s18 =	sld [smem:$0x3FFB];
	_ =	sdelay $0x3  }
0x92: {  	_ =	strace s18  }
0x93: {  	s3 =	sld [smem:$0x3FFC];
	_ =	sdelay $0x3  }
0x94: {  	_ =	strace s3  }
0x95: {  	s3 =	sld [smem:$0x3FFD];
	_ =	sdelay $0x3  }
0x96: {  	_ =	strace s3  }
0x97: {  	_ =	strace $0x8FFFFFFF  }
0x98: {  	s19 =	sld [smem:$0x3FDB];
	_ =	sdelay $0x1  }
0x99: {  	s4 =	simm.s32 $_scs_section_size  }
0x9a: {  	s5 =	simm.s32 $_size__tile_overlayer_lowered;
	s6 =	simm.s32 $_tile_overlayer_lowered  }
0x9b: {  	s22 =	simm.s32 $0x1BFF;
	s21 =	sshll.u32 s6, $0x1;
	s3 =	sadd.s32 s4, s19  }
0x9c: {  	s7 =	simm.s32 $0x0;
	s20 =	sshll.u32 s5, $0x1;
	s5 =	sadd.s32 s21, s3  }
0x9d: {  	[timem:s7], [sflag:s22] =	dma.local [hbm:s5], s20  }
0x9e: {  	_ =	swait.ge [sflag:s22], s20  }
0x9f: {  	s4 =	ssub.s32 $0x0, s20;
	[sflag:s22] =	ssyncset.done $0x0  }
0xa0: {  	[sflag:s22] =	ssyncadd.s32 s4;
	_ =	sdelay $0x1  }
0xa1: {  	s23 =	simm.s32 $0x1B8B  }
0xa2: {  	_ =	swait.ge [sflag:s23], $0x1  }
0xa3: {  	[sflag:s23] =	ssyncset.done $0x0  }
0xa4: {  	s25 =	simm.s32 $0x1B8E;
	s24 =	sld [smem:$0x3FFE];
	[sflag:s23] =	ssyncadd.s32 $0xFFFFFFFF  }
0xa5: {  	s26 =	simm.s32 $execute0_lowered;
	[smem:$0x3FD2] =	sst s25  }
0xa6: {  	s5 =	sshll.u32 s26, $0x1;
	_ =	strace $0x80000046;
	[dreg:$0x1] =	wrdreg $0xFFFFFFFF  }
0xa7: {  	s28 =	simm.s32 $_size_execute0_lowered;
	s3 =	sadd.s32 s3, s5;
	[dreg:$0x0] =	wrdreg $0x0  }
0xa8: {  	s5 =	sshll.u32 s28, $0x1;
	[dreg:$0x2] =	wrdreg s3  }
0xa9: {  	[dreg:$0x3] =	wrdreg s5  }
0xaa: {  	[dreg:$0x4] =	wrdreg $0xC0  }
0xab: {  	_ =	task [dreg:s7], $0x5FFFF  }
0xac: {  	[dreg:$0x1] =	wrdreg $0xFFFFFFFF  }
0xad: {  	[dreg:$0x0] =	wrdreg $0x60  }
0xae: {  	[dreg:$0x2] =	wrdreg s2  }
0xaf: {  	[dreg:$0x3] =	wrdreg s24  }
0xb0: {  	[dreg:$0x4] =	wrdreg $0x9  }
0xb1: {  	_ =	task.clear_ibuf [dreg:s7], $0x5FFFF;
	_ =	strace $0x90000046  }
0xb2: {  	s29 =	simm.s32 $0x9;
	_ =	strace $0x80000048  }
0xb3: {  	_ =	swait.ge [sflag:s29], $0x1  }
0xb4: {  	[sflag:s29] =	ssyncadd.s32 $0xFFFFFFFF  }
0xb5: {  	_ =	strace $0x90000048  }
0xb6: {  	_ =	sfence  }
0xb7: {  	s30 =	sld [smem:$0x0];
	_ =	sdelay $0x2  }
0xb8: {  	s31 =	sshll.u32 s1, $0xD;
	s1 =	sshrl.u32 s1, $0x2  }
0xb9: {  	s3 =	sand.u32 $0x4000, s31;
	s1 =	sadd.s32 s1, s30  }
0xba: {  	s0 =	sor.u32 s3, s0;
	s1 =	sshll.u32 s1, $0x11  }
0xbb: {  	s0 =	sor.u32 s1, s0  }
0xbc: {  	s0 =	sadd.s32 $0x8F2B, s0  }
0xbd: {  	[sflag:s0] =	ssyncadd.remote.s32 $0x1  }
0xbe: {  	_ =	sfence.sel $0xFFFF  }
0xbf: {  	[dreg:$0x0] =	wrdreg $0xFFFFFFFF;
	(pc) =	sbr.abs _section_cstart, $3  }
0xc0: {  	[dreg:$0x1] =	wrdreg $0xFFFFFFFF  }
0xc1: {  	_ =	task.clear_ibuf [dreg:s7], $0x2FFFF;
	_ =	strace $0x9FFFFFFF  }
0xc2: {  	(tm) =	ssettm $0x7FFFFFFF  }
0xc3: {  	_ =	shalt  }
tec
execute0_lowered:
.L_overlay_start_1:
0x0: {  	(tag) =	ssettag $0x1  }
0x1: {  	s2 =	rddreg [dreg:$0x0];
	s0 =	srdreg.scid  }
0x2: {  	s6 =	rddreg [dreg:$0x1];
	s1 =	stileid.u32;
	s4 =	simm.s32 $0x1  }
0x3: {  	s7 =	simm.s32 $0x2;
	s9 =	simm.s32 $0x3;
	s13 =	simm.s32 $0x0  }
0x4: {  	p0 =	por $0x0, $0x0;
	s3 =	sshll.u32 s0, $0x4;
	s0 =	rddreg [dreg:$0x2]  }
.Ltmp0:
0x5: {  	_ =	strace $0x80000047;
	s3 =	sand.u32 $0x10, s3;
	(pc) =	sbr.rel .LBB2_1-.Ltmp0, $4  }
0x6: {  	s12 =	simm.s32 $0x0;
	[sflag:s4] =	ssyncpa.u1 $0x0;
	s5 =	sor.u32 s1, s3  }
0x7: {  	s10 =	simm.s32 $0x0;
	[sflag:s7] =	ssyncpa.u1 $0x0;
	s5 =	smul.u32 $0x180, s5  }
0x8: {  	s3 =	sadd.s32 $0x1200, s6;
	s6 =	sadd.s32 $0x1800, s6;
	[sflag:s9] =	ssyncpa.u1 $0x0  }
0x9: {  	vm0 =	vmmov $0xff;
	vm1 =	vcmask $0x3F20;
	s9 =	simm.s32 $0x0;
	s8 =	sadd.s32 $0x180, s5;
	s11 =	smov.u32 s5  }
.LBB2_8:
0xa: {  	[hbm:s16] =	stream.linear.scatter [tilespmem:s13], [sflag:$0x3], $0x4000, $0x38;
	[tilespmem:$0x18030] =	vst v63  }
.LBB2_9:
0xb: {  	s14 =	sadd.s32 $0x800, s10;
	s12 =	sadd.s32 $0x18, s11;
	s13 =	smov.u32 s11  }
0xc: {  	p2 =	slt.u32 s9, $0x2;
	s9 =	sadd.s32 $0x1, s9;
	p1 =	sgt.s32 s14, $0xFFF  }
0xd: {  	s13 =	smov.u32 @p1 s12;
	s14 =	simm.s32 @p1 $0x0;
	p1 =	sne.s32 s9, $0x22  }
.Ltmp1:
0xe: {  	_ = 	snop;
	(pc) =	sbr.rel @!p1 .LBB2_10-.Ltmp1, $4  }
0xf: {  	s16 =	smov.u32 s5;
	p0 =	por !p0, !p0;
	s15 =	simm.s32 @!p2 $0x3  }
0x10: {  	_ =	swait.ge @!p2 [sflag:s15], $0xC000;
	s12 =	smov.u32 s11;
	p3 =	slt.s32 s13, s8  }
0x11: {  	[sflag:s15] =	ssyncset.done @!p2 $0x0;
	s16 =	smov.u32 @p3 s13;
	s13 =	smov.u32 s10  }
0x12: {  	[sflag:s15] =	ssyncadd.s32 @!p2 $0xFFFF4000;
	s10 =	smov.u32 s14;
	s11 =	smov.u32 s16  }
.LBB2_1:
0x13: {  	p1 =	sgt.u32 s9, $0x1F  }
0x14: {  	s14 =	sxor.u32 @!p1 $0xFFFFFFFF, s9  }
0x15: {  	s14 =	sand.u32 @!p1 $0x1, s14  }
0x16: {  	s14 =	smul.u32 @!p1 $0x60, s14  }
0x17: {  	s31 =	sadd.s32 $0xFFFFFFFF, s9;
	s15 =	sshrl.u32 @!p1 s11, $0x3  }
0x18: {  	s16 =	sand.u32 @!p1 $0x7, s11;
	s15 =	sadd.s32 @!p1 s3, s15;
	s14 =	sshrl.u32 @!p1 s14, $0x2  }
0x19: {  	[tilespmem:s14], [sflag:$0x2] =	stream.linear.gather @!p1 [hbm4b:s15+s16], $0x18, $0x38;
	[tilespmem:$0x18030] =	vst v63  }
0x1a: {  	p1 =	sgt.u32 s31, $0x1F  }
.Ltmp2:
0x1b: {  	_ = 	snop;
	(pc) =	sbr.rel @p1 .LBB2_9-.Ltmp2, $1  }
0x1c: {  	_ =	sdelay $0x3  }
0x1d: {  	s14 =	sand.u32 $0x1, s9  }
0x1e: {  	_ =	swait.ge [sflag:s7], $0x18;
	s14 =	smul.u32 $0x60, s14  }
0x1f: {  	[sflag:s7] =	ssyncset.done $0x0  }
0x20: {  	[sflag:s7] =	ssyncadd.s32 $0xFFFFFFE8;
	s16 =	sshrl.u32 s14, $0x2  }
0x21: {  	v0 =	vld.msk [tilespmem:s16+$0x0 ss:$0x1], $0xffff;
	_ =	sdelay $0x4  }
0x22: {  	vm2 =	vgt.s32 v0, $0x0  }
0x23: {  	v0 =	vnsel vm2, $0x0, v0  }
0x24: {  	v0 =	vmin.u32 v0, $0x2FFF  }
0x25: {  	v1 =	vshll.u32 v0, $0x4  }
0x26: {  	s15 =	simm.s32 $0x1;
	s14 =	sand.u32 $0xFFFFFF80, s13;
	v0 =	vshll.u32 v0, $0x9;
	v1 =	vand.u32 $0x70, v1  }
0x27: {  	s15 =	simm.s32 @!p0 $0x0;
	v0 =	vand.u32 $0x7FF000, v0;
	v1 =	vor.u32 s14, v1  }
0x28: {  	s31 =	smul.u32 $0x30000, s15;
	v1 =	vadd.s32 v0, v1;
	_ =	sdelay $0x1  }
0x29: {  	s15 =	sshrl.u32 s31, $0x2  }
0x2a: {  	s13 =	sor.u32 $0x30, s15  }
0x2b: {  	s18 =	sadd.s32 $0x0, s13  }
0x2c: {  	[tilespmem:s18], [sflag:$0x1] =	stream.indirect_vreg.gather [hbm:s2], $0x80, v1, vm0, $0x38;
	[tilespmem:$0x18030] =	vst v63  }
0x2d: {  	s17 =	simm.s32 $0x1000;
	s15 =	sadd.s32 $0x8030, s15;
	v0 =	vmov s14;
	v2 =	vadd.s32 $0x80, v1;
	s18 =	sadd.s32 $0x4000, s18  }
.LBB2_3:
0x2e: {  	[tilespmem:s18], [sflag:$0x1] =	stream.indirect_vreg.gather [hbm:s2], $0x80, v1, vm1, $0x38;
	[tilespmem:$0x18030] =	vst v63  }
0x2f: {  	v1 =	vmov v2;
	s18 =	smov.u32 s17;
	p1 =	sne.s32 s17, $0xF000  }
.Ltmp3:
0x30: {  	s17 =	sadd.s32 $0x1000, s17;
	(pc) =	sbr.rel @p1 .LBB2_3-.Ltmp3, $4  }
0x31: {  	s18 =	sshra.s32 s18, $0x2  }
0x32: {  	s18 =	sadd.s32 s18, s13  }
0x33: {  	[tilespmem:s18], [sflag:$0x1] =	stream.indirect_vreg.gather [hbm:s2], $0x80, v2, vm0, $0x38;
	[tilespmem:$0x18030] =	vst v63  }
0x34: {  	s18 =	sadd.s32 $0x4000, s18;
	v2 =	vadd.s32 $0x80, v2  }
0x35: {  	_ =	sdelay $0x3  }
0x36: {  	[tilespmem:s18], [sflag:$0x1] =	stream.indirect_vreg.gather [hbm:s2], $0x80, v1, vm1, $0x38;
	[tilespmem:$0x18030] =	vst v63  }
0x37: {  	v1 =	vld.msk [tilespmem:s16+$0x10 ss:$0x1], $0xff;
	_ =	sdelay $0x4  }
0x38: {  	vm2 =	vgt.s32 v1, $0x0  }
0x39: {  	v1 =	vnsel vm2, $0x0, v1  }
0x3a: {  	v1 =	vmin.u32 v1, $0x2FFF  }
0x3b: {  	v2 =	vshll.u32 v1, $0x4  }
0x3c: {  	v1 =	vshll.u32 v1, $0x9;
	v2 =	vand.u32 $0x70, v2  }
0x3d: {  	v1 =	vand.u32 $0x7FF000, v1;
	v0 =	vor.u32 v0, v2  }
0x3e: {  	v0 =	vadd.s32 v1, v0;
	_ =	sdelay $0x3  }
0x3f: {  	s17 =	sadd.s32 $0x0, s15;
	s16 =	simm.s32 $0x1000  }
.LBB2_5:
0x40: {  	[tilespmem:s17], [sflag:$0x1] =	stream.indirect_vreg.gather [hbm:s2], $0x80, v0, vm0, $0x38;
	[tilespmem:$0x18030] =	vst v63  }
0x41: {  	v0 =	vadd.s32 $0x80, v0;
	s17 =	smov.u32 s16;
	p1 =	sne.s32 s16, $0xF000  }
.Ltmp4:
0x42: {  	s16 =	sadd.s32 $0x1000, s16;
	(pc) =	sbr.rel @p1 .LBB2_5-.Ltmp4, $3  }
0x43: {  	_ =	sdelay $0x1  }
0x44: {  	s17 =	sshra.s32 s17, $0x2  }
0x45: {  	s17 =	sadd.s32 s17, s15  }
0x46: {  	_ =	sdelay $0x3  }
0x47: {  	[tilespmem:s17], [sflag:$0x1] =	stream.indirect_vreg.gather [hbm:s2], $0x80, v0, vm0, $0x38;
	[tilespmem:$0x18030] =	vst v63  }
0x48: {  	s15 =	sshll.u32 s12, $0x9  }
0x49: {  	s15 =	sand.u32 $0xFFFFF000, s15  }
0x4a: {  	s31 =	sshll.u32 s12, $0x4;
	_ =	swait.ge [sflag:s4], $0xC000;
	s15 =	sadd.s32 s15, s6  }
0x4b: {  	s12 =	sand.u32 $0x70, s31;
	[sflag:s4] =	ssyncset.done $0x0;
	s14 =	sadd.s32 s14, s15  }
0x4c: {  	[sflag:s4] =	ssyncadd.s32 $0xFFFF4000;
	s12 =	sadd.s32 s12, s14  }
0x4d: {  	s15 =	sadd.s32 $0x4000, s13;
	s14 =	simm.s32 $0x1000;
	s16 =	sadd.s32 $0x0, s12  }
.LBB2_7:
0x4e: {  	[hbm:s16] =	stream.linear.scatter [tilespmem:s13], [sflag:$0x3], $0x4000, $0x38;
	[tilespmem:$0x18030] =	vst v63  }
0x4f: {  	s16 =	smov.u32 s14;
	s13 =	smov.u32 s15;
	p1 =	sne.s32 s14, $0x2000  }
.Ltmp5:
0x50: {  	s14 =	sadd.s32 $0x1000, s14;
	(pc) =	sbr.rel @p1 .LBB2_7-.Ltmp5, $2  }
0x51: {  	_ =	sdelay $0x2  }
0x52: {  	s15 =	sadd.s32 $0x4000, s15;
	s16 =	sadd.s32 s16, s12  }
.Ltmp6:
0x53: {  	_ = 	snop;
	(pc) =	sbr.rel .LBB2_8-.Ltmp6, $1  }
0x54: {  	_ =	sdelay $0x3  }
.LBB2_10:
0x55: {  	_ =	sfence.sel $0x180000  }
0x56: {  	s2 =	simm.s32 $0x2;
	[bflag:$0x0] =	sbarrier.arrive $0xFFFF  }
0x57: {  	s30 =	simm.s32 $0x3;
	[sflag:s2] =	ssyncpa.u1 $0x1  }
0x58: {  	s31 =	simm.s32 $0x1;
	[sflag:s30] =	ssyncpa.u1 $0x1  }
0x59: {  	[sflag:s31] =	ssyncpa.u1 $0x1  }
0x5a: {  	p0 =	sne.s32 s1, $0x0;
	_ =	strace $0x90000047  }
0x5b: {  	s0 =	sadd.s32 @!p0 $0x100000, s0;
	[bflag:$0x2] =	sbarrier.arrive $0xFFFF  }
0x5c: {  	[sflag:s0] =	ssyncadd.tile.s32 @!p0 $0x1;
	_ =	shalt  }
.Lfunc_end2:
_tile_overlayer_lowered:
.L_overlay_start_2:
0x5d: {  	(tag) =	ssettag $0x2  }
0x5e: {  	s0 =	rddreg [dreg:$0x0];
	s2 =	stileid.u32  }
0x5f: {  	s1 =	rddreg [dreg:$0x1];
	p0 =	sne.s32 s2, $0x0  }
0x60: {  	s3 =	rddreg [dreg:$0x2];
	[bflag:$0x3] =	sbarrier.arrive $0xFFFF;
	s2 =	simm.s32 @!p0 $0x1C01  }
0x61: {  	[timem:s3], [sflag:s2] =	dma.local @!p0 [hbm:s0], s1  }
0x62: {  	s0 =	simm.s32 @!p0 $0x1  }
0x63: {  	_ =	swait.ge @!p0 [sflag:s0], s1  }
0x64: {  	s1 =	ssub.s32 @!p0 $0x0, s1;
	[sflag:s0] =	ssyncset.done @!p0 $0x0  }
0x65: {  	[sflag:s0] =	ssyncadd.s32 @!p0 s1  }
0x66: {  	[bflag:$0x3] =	sbarrier.arrive $0xFFFF  }
0x67: {  	_ =	shalt  }

</sc_bundles>
